<compile_context>
chip_gen: v7x
topology: tpu7x:2x2x1
jax: 0.10.2.dev20260603
libtpu: 0.0.44.dev20260713+nightly
codegen_flags: <defaults>
</compile_context>

<pallas_src>
import jax
import jax.numpy as jnp
from jax import lax
from jax.experimental import pallas as pl
from jax.experimental.pallas import tpu as pltpu
from jax.experimental.pallas import tpu_sc as plsc

N = 16384
D = 128
DW = D // 2
L = 16
NW = 32
PAIRS_PER_W = N // NW
CHUNK = 64
NCHUNK = PAIRS_PER_W // CHUNK
NBUF = 4
GROUPS = CHUNK // L
UNROLL = 8


def _body(x0_hbm, x1_hbm, u_hbm, v_hbm, out_hbm,
          idx0_v, idx1_v, u_buf0, u_buf1, u_buf2, u_buf3,
          v_buf0, v_buf1, v_buf2, v_buf3, out_v, sems):
    nc = 2
    wid = lax.axis_index("s") * nc + lax.axis_index("c")
    base = wid * PAIRS_PER_W

    u_bufs = (u_buf0, u_buf1, u_buf2, u_buf3)
    v_bufs = (v_buf0, v_buf1, v_buf2, v_buf3)

    iota = lax.iota(jnp.int32, L)

    pltpu.sync_copy(x0_hbm.at[pl.ds(base, PAIRS_PER_W)], idx0_v)
    pltpu.sync_copy(x1_hbm.at[pl.ds(base, PAIRS_PER_W)], idx1_v)

    def start(t, slot):
        pltpu.async_copy(u_hbm.at[idx0_v.at[pl.ds(t * CHUNK, CHUNK)]],
                         u_bufs[slot], sems.at[slot, 0])
        pltpu.async_copy(v_hbm.at[idx1_v.at[pl.ds(t * CHUNK, CHUNK)]],
                         v_bufs[slot], sems.at[slot, 1])

    def wait(slot):
        pltpu.make_async_copy(u_hbm.at[idx0_v.at[pl.ds(0, CHUNK)]],
                              u_bufs[slot], sems.at[slot, 0]).wait()
        pltpu.make_async_copy(v_hbm.at[idx1_v.at[pl.ds(0, CHUNK)]],
                              v_bufs[slot], sems.at[slot, 1]).wait()

    for slot in range(NBUF):
        start(slot, slot)

    def chunk_pair(i, _):
        tt = i * NBUF
        for b in range(NBUF):
            ct = tt + b
            wait(b)

            def group(g, _g):
                rows = iota + g * L

                def dot_step(t8, acc):
                    jb = iota + t8 * UNROLL
                    for u in range(UNROLL):
                        js = (jb + u) & (DW - 1)
                        ui = plsc.load_gather(u_bufs[b], [rows, js])
                        vi = plsc.load_gather(v_bufs[b], [rows, js])
                        ulo, uhi = plsc.unpack(
                            plsc.bitcast(ui, jnp.bfloat16),
                            format=plsc.PackFormat.INTERLEAVED)
                        vlo, vhi = plsc.unpack(
                            plsc.bitcast(vi, jnp.bfloat16),
                            format=plsc.PackFormat.INTERLEAVED)
                        acc = acc + ulo * vlo + uhi * vhi
                    return acc

                acc = lax.fori_loop(0, DW // UNROLL, dot_step,
                                    jnp.zeros((L,), jnp.float32))
                prob = 1.0 / (1.0 + jnp.exp(-acc))
                out_v[pl.ds(ct * CHUNK + g * L, L)] = prob
                return 0

            lax.fori_loop(0, GROUPS, group, 0)

            nxt = ct + NBUF

            @pl.when(nxt < NCHUNK)
            def _():
                start(nxt, b)
        return 0

    lax.fori_loop(0, NCHUNK // NBUF, chunk_pair, 0)

    pltpu.sync_copy(out_v, out_hbm.at[pl.ds(base, PAIRS_PER_W)])


@jax.jit
def _run(x0, x1, u, v):
    mesh = plsc.VectorSubcoreMesh(core_axis_name="c", subcore_axis_name="s")
    return pl.kernel(
        _body,
        out_type=jax.ShapeDtypeStruct((N,), jnp.float32),
        mesh=mesh,
        scratch_types=[
            pltpu.VMEM((PAIRS_PER_W,), jnp.int32),
            pltpu.VMEM((PAIRS_PER_W,), jnp.int32),
            pltpu.VMEM((CHUNK, DW), jnp.int32),
            pltpu.VMEM((CHUNK, DW), jnp.int32),
            pltpu.VMEM((CHUNK, DW), jnp.int32),
            pltpu.VMEM((CHUNK, DW), jnp.int32),
            pltpu.VMEM((CHUNK, DW), jnp.int32),
            pltpu.VMEM((CHUNK, DW), jnp.int32),
            pltpu.VMEM((CHUNK, DW), jnp.int32),
            pltpu.VMEM((CHUNK, DW), jnp.int32),
            pltpu.VMEM((PAIRS_PER_W,), jnp.float32),
            pltpu.SemaphoreType.DMA((NBUF, 2)),
        ],
        compiler_params=pltpu.CompilerParams(
            needs_layout_passes=False,
            disable_bounds_checks=True,
            disable_semaphore_checks=True,
            skip_device_barrier=True,
            use_tc_tiling_on_sc=False,
        ),
    )(x0, x1, u, v)


def _pack(t):
    b = t.astype(jnp.bfloat16)
    lo = jax.lax.bitcast_convert_type(b[:, :DW], jnp.uint16).astype(jnp.uint32)
    hi = jax.lax.bitcast_convert_type(b[:, DW:], jnp.uint16).astype(jnp.uint32)
    return jax.lax.bitcast_convert_type(lo | (hi << 16), jnp.int32)


def kernel(X, U, V):
    return _run(X[:, 0], X[:, 1], _pack(U), _pack(V))

# --- scband reference (transcript-rebuilt; emitter-appended) ---
"""Pipeline reference for scband-w2-vnet-65137474011904 (READ-ONLY COPY).

The authoritative reference and input builder live on the scoring server;
editing this copy changes nothing except your own understanding.
"""

import jax, jax.numpy as jnp
import numpy as np

VOCAB = 1000
D = 128
N = 16384

def setup_inputs(seed: int = 0) -> dict:
    key = jax.random.key(seed)
    k1, k2, k3 = jax.random.split(key, 3)
    X = jax.random.randint(k1, (N, 2), 0, VOCAB, dtype=jnp.int32)
    U = jax.random.uniform(k2, (VOCAB, D), minval=-1.0 / D, maxval=1.0 / D, dtype=jnp.float32)
    V = jax.random.uniform(k3, (VOCAB, D), minval=-1.0 / D, maxval=1.0 / D, dtype=jnp.float32)
    return {"X": X, "U": U, "V": V}

def reference(X, U, V):
    # gather embeddings for each token in the pair
    u = jnp.take(U, X[:, 0], axis=0)   # (N, D)
    v = jnp.take(V, X[:, 1], axis=0)   # (N, D)
    # bmm of (N,1,D) x (N,D,1) -> per-row dot product, flattened
    dot_products = jnp.sum(u * v, axis=-1)  # (N,)
    probabilities = jax.nn.sigmoid(dot_products)
    return probabilities

if __name__ == "__main__":
    import jax
    _d = setup_inputs()
    print(jax.jit(kernel)(*tuple(_d.values())))

</pallas_src>

<mosaic_0001>
#map = affine_map<(d0, d1) -> (0)>
#map1 = affine_map<(d0, d1) -> (0, 0)>
module attributes {stable_mosaic.version = 14 : i64} {
  func.func @_body(%arg0: i32, %arg1: i32, %arg2: memref<16384xi32, #tpu.memory_space<hbm>>, %arg3: memref<16384xi32, #tpu.memory_space<hbm>>, %arg4: memref<1000x64xi32, #tpu.memory_space<hbm>>, %arg5: memref<1000x64xi32, #tpu.memory_space<hbm>>, %arg6: memref<16384xf32, #tpu.memory_space<hbm>>, %arg7: memref<512xi32, #tpu.memory_space<vmem>>, %arg8: memref<512xi32, #tpu.memory_space<vmem>>, %arg9: memref<64x64xi32, #tpu.memory_space<vmem>>, %arg10: memref<64x64xi32, #tpu.memory_space<vmem>>, %arg11: memref<64x64xi32, #tpu.memory_space<vmem>>, %arg12: memref<64x64xi32, #tpu.memory_space<vmem>>, %arg13: memref<64x64xi32, #tpu.memory_space<vmem>>, %arg14: memref<64x64xi32, #tpu.memory_space<vmem>>, %arg15: memref<64x64xi32, #tpu.memory_space<vmem>>, %arg16: memref<64x64xi32, #tpu.memory_space<vmem>>, %arg17: memref<512xf32, #tpu.memory_space<vmem>>, %arg18: memref<4x2x!tpu.dma_semaphore, #tpu.memory_space<semaphore_mem>>) attributes {dimension_semantics = [#tpu.dimension_semantics<core_parallel>, #tpu.dimension_semantics<subcore_parallel>], iteration_bounds = array<i64: 2, 16>, scalar_prefetch = 0 : i64, scratch_operands = 12 : i64, tpu.core_type = #tpu.core_type<sc_vector_subcore>, window_params = [{transform_indices = #map}, {transform_indices = #map}, {transform_indices = #map1}, {transform_indices = #map1}, {transform_indices = #map}]} {
    %mul3A = arith.constant 2 : i32
    %mul3A_0 = arith.muli %arg1, %mul3A : i32
    %add3A = arith.addi %mul3A_0, %arg0 : i32
    %mul3A_1 = arith.constant 512 : i32
    %mul3A_2 = arith.muli %add3A, %mul3A_1 : i32
    %iota3A = tpu.iota {dimensions = array<i32: 0>} : vector<16xi32>
    "tpu.region"() ({
      %run_scoped3A = tpu.sem_alloc : memref<!tpu.dma_semaphore, #tpu.memory_space<semaphore_mem>>
      %dma_start3A_80 = tpu.memref_slice %arg2[%mul3A_2] : memref<16384xi32, #tpu.memory_space<hbm>> -> memref<512xi32, #tpu.memory_space<hbm>>
      %dma_start3A_81 = tpu.memref_slice %arg2[%mul3A_2] : memref<16384xi32, #tpu.memory_space<hbm>> -> memref<512xi32, #tpu.memory_space<hbm>>
      tpu.enqueue_dma source(%dma_start3A_81 : memref<512xi32, #tpu.memory_space<hbm>>) target(%arg7 : memref<512xi32, #tpu.memory_space<vmem>>) target_semaphore(%run_scoped3A : memref<!tpu.dma_semaphore, #tpu.memory_space<semaphore_mem>>)
      %dma_wait3A = tpu.memref_slice %arg2[%mul3A_2] : memref<16384xi32, #tpu.memory_space<hbm>> -> memref<512xi32, #tpu.memory_space<hbm>>
      %dma_wait3A_82 = tpu.memref_slice %arg2[%mul3A_2] : memref<16384xi32, #tpu.memory_space<hbm>> -> memref<512xi32, #tpu.memory_space<hbm>>
      tpu.wait_dma2 semaphore(%run_scoped3A : memref<!tpu.dma_semaphore, #tpu.memory_space<semaphore_mem>>) src(%dma_wait3A_82 : memref<512xi32, #tpu.memory_space<hbm>>) dst(%arg7 : memref<512xi32, #tpu.memory_space<vmem>>)
      tpu.yield
    }) : () -> ()
    "tpu.region"() ({
      %run_scoped3A = tpu.sem_alloc : memref<!tpu.dma_semaphore, #tpu.memory_space<semaphore_mem>>
      %dma_start3A_80 = tpu.memref_slice %arg3[%mul3A_2] : memref<16384xi32, #tpu.memory_space<hbm>> -> memref<512xi32, #tpu.memory_space<hbm>>
      %dma_start3A_81 = tpu.memref_slice %arg3[%mul3A_2] : memref<16384xi32, #tpu.memory_space<hbm>> -> memref<512xi32, #tpu.memory_space<hbm>>
      tpu.enqueue_dma source(%dma_start3A_81 : memref<512xi32, #tpu.memory_space<hbm>>) target(%arg8 : memref<512xi32, #tpu.memory_space<vmem>>) target_semaphore(%run_scoped3A : memref<!tpu.dma_semaphore, #tpu.memory_space<semaphore_mem>>)
      %dma_wait3A = tpu.memref_slice %arg3[%mul3A_2] : memref<16384xi32, #tpu.memory_space<hbm>> -> memref<512xi32, #tpu.memory_space<hbm>>
      %dma_wait3A_82 = tpu.memref_slice %arg3[%mul3A_2] : memref<16384xi32, #tpu.memory_space<hbm>> -> memref<512xi32, #tpu.memory_space<hbm>>
      tpu.wait_dma2 semaphore(%run_scoped3A : memref<!tpu.dma_semaphore, #tpu.memory_space<semaphore_mem>>) src(%dma_wait3A_82 : memref<512xi32, #tpu.memory_space<hbm>>) dst(%arg8 : memref<512xi32, #tpu.memory_space<vmem>>)
      tpu.yield
    }) : () -> ()
    %dma_start3A = arith.constant 0 : i32
    %dma_start3A_3 = arith.constant 0 : i32
    %dma_start3A_4 = arith.constant 0 : i32
    %dma_start3A_5 = tpu.memref_slice %arg7[%dma_start3A_4] : memref<512xi32, #tpu.memory_space<vmem>> -> memref<64xi32, #tpu.memory_space<vmem>>
    %dma_start3A_6 = arith.constant 0 : i32
    %dma_start3A_7 = arith.constant 0 : i32
    %dma_start3A_8 = tpu.memref_slice %arg4[%dma_start3A_6, %dma_start3A_7] : memref<1000x64xi32, #tpu.memory_space<hbm>> -> memref<1000x64xi32, #tpu.memory_space<hbm>>
    %dma_start3A_9 = tpu.memref_slice %arg18[%dma_start3A, %dma_start3A_3] : memref<4x2x!tpu.dma_semaphore, #tpu.memory_space<semaphore_mem>> -> memref<1x1x!tpu.dma_semaphore, #tpu.memory_space<semaphore_mem>>
    %dma_start3A_10 = tpu.memref_squeeze %dma_start3A_9 : memref<1x1x!tpu.dma_semaphore, #tpu.memory_space<semaphore_mem>> -> memref<!tpu.dma_semaphore, #tpu.memory_space<semaphore_mem>>
    tpu.enqueue_indirect_dma source(%dma_start3A_8 : memref<1000x64xi32, #tpu.memory_space<hbm>>) target(%arg9 : memref<64x64xi32, #tpu.memory_space<vmem>>) offsets(%dma_start3A_5 : memref<64xi32, #tpu.memory_space<vmem>>) semaphore(%dma_start3A_10 : memref<!tpu.dma_semaphore, #tpu.memory_space<semaphore_mem>>)
    %dma_start3A_11 = arith.constant 0 : i32
    %dma_start3A_12 = arith.constant 1 : i32
    %dma_start3A_13 = arith.constant 0 : i32
    %dma_start3A_14 = tpu.memref_slice %arg8[%dma_start3A_13] : memref<512xi32, #tpu.memory_space<vmem>> -> memref<64xi32, #tpu.memory_space<vmem>>
    %dma_start3A_15 = arith.constant 0 : i32
    %dma_start3A_16 = arith.constant 0 : i32
    %dma_start3A_17 = tpu.memref_slice %arg5[%dma_start3A_15, %dma_start3A_16] : memref<1000x64xi32, #tpu.memory_space<hbm>> -> memref<1000x64xi32, #tpu.memory_space<hbm>>
    %dma_start3A_18 = tpu.memref_slice %arg18[%dma_start3A_11, %dma_start3A_12] : memref<4x2x!tpu.dma_semaphore, #tpu.memory_space<semaphore_mem>> -> memref<1x1x!tpu.dma_semaphore, #tpu.memory_space<semaphore_mem>>
    %dma_start3A_19 = tpu.memref_squeeze %dma_start3A_18 : memref<1x1x!tpu.dma_semaphore, #tpu.memory_space<semaphore_mem>> -> memref<!tpu.dma_semaphore, #tpu.memory_space<semaphore_mem>>
    tpu.enqueue_indirect_dma source(%dma_start3A_17 : memref<1000x64xi32, #tpu.memory_space<hbm>>) target(%arg13 : memref<64x64xi32, #tpu.memory_space<vmem>>) offsets(%dma_start3A_14 : memref<64xi32, #tpu.memory_space<vmem>>) semaphore(%dma_start3A_19 : memref<!tpu.dma_semaphore, #tpu.memory_space<semaphore_mem>>)
    %dma_start3A_20 = arith.constant 1 : i32
    %dma_start3A_21 = arith.constant 0 : i32
    %dma_start3A_22 = arith.constant 64 : i32
    %dma_start3A_23 = tpu.memref_slice %arg7[%dma_start3A_22] : memref<512xi32, #tpu.memory_space<vmem>> -> memref<64xi32, #tpu.memory_space<vmem>>
    %dma_start3A_24 = arith.constant 0 : i32
    %dma_start3A_25 = arith.constant 0 : i32
    %dma_start3A_26 = tpu.memref_slice %arg4[%dma_start3A_24, %dma_start3A_25] : memref<1000x64xi32, #tpu.memory_space<hbm>> -> memref<1000x64xi32, #tpu.memory_space<hbm>>
    %dma_start3A_27 = tpu.memref_slice %arg18[%dma_start3A_20, %dma_start3A_21] : memref<4x2x!tpu.dma_semaphore, #tpu.memory_space<semaphore_mem>> -> memref<1x1x!tpu.dma_semaphore, #tpu.memory_space<semaphore_mem>>
    %dma_start3A_28 = tpu.memref_squeeze %dma_start3A_27 : memref<1x1x!tpu.dma_semaphore, #tpu.memory_space<semaphore_mem>> -> memref<!tpu.dma_semaphore, #tpu.memory_space<semaphore_mem>>
    tpu.enqueue_indirect_dma source(%dma_start3A_26 : memref<1000x64xi32, #tpu.memory_space<hbm>>) target(%arg10 : memref<64x64xi32, #tpu.memory_space<vmem>>) offsets(%dma_start3A_23 : memref<64xi32, #tpu.memory_space<vmem>>) semaphore(%dma_start3A_28 : memref<!tpu.dma_semaphore, #tpu.memory_space<semaphore_mem>>)
    %dma_start3A_29 = arith.constant 1 : i32
    %dma_start3A_30 = arith.constant 1 : i32
    %dma_start3A_31 = arith.constant 64 : i32
    %dma_start3A_32 = tpu.memref_slice %arg8[%dma_start3A_31] : memref<512xi32, #tpu.memory_space<vmem>> -> memref<64xi32, #tpu.memory_space<vmem>>
    %dma_start3A_33 = arith.constant 0 : i32
    %dma_start3A_34 = arith.constant 0 : i32
    %dma_start3A_35 = tpu.memref_slice %arg5[%dma_start3A_33, %dma_start3A_34] : memref<1000x64xi32, #tpu.memory_space<hbm>> -> memref<1000x64xi32, #tpu.memory_space<hbm>>
    %dma_start3A_36 = tpu.memref_slice %arg18[%dma_start3A_29, %dma_start3A_30] : memref<4x2x!tpu.dma_semaphore, #tpu.memory_space<semaphore_mem>> -> memref<1x1x!tpu.dma_semaphore, #tpu.memory_space<semaphore_mem>>
    %dma_start3A_37 = tpu.memref_squeeze %dma_start3A_36 : memref<1x1x!tpu.dma_semaphore, #tpu.memory_space<semaphore_mem>> -> memref<!tpu.dma_semaphore, #tpu.memory_space<semaphore_mem>>
    tpu.enqueue_indirect_dma source(%dma_start3A_35 : memref<1000x64xi32, #tpu.memory_space<hbm>>) target(%arg14 : memref<64x64xi32, #tpu.memory_space<vmem>>) offsets(%dma_start3A_32 : memref<64xi32, #tpu.memory_space<vmem>>) semaphore(%dma_start3A_37 : memref<!tpu.dma_semaphore, #tpu.memory_space<semaphore_mem>>)
    %dma_start3A_38 = arith.constant 2 : i32
    %dma_start3A_39 = arith.constant 0 : i32
    %dma_start3A_40 = arith.constant 128 : i32
    %dma_start3A_41 = tpu.memref_slice %arg7[%dma_start3A_40] : memref<512xi32, #tpu.memory_space<vmem>> -> memref<64xi32, #tpu.memory_space<vmem>>
    %dma_start3A_42 = arith.constant 0 : i32
    %dma_start3A_43 = arith.constant 0 : i32
    %dma_start3A_44 = tpu.memref_slice %arg4[%dma_start3A_42, %dma_start3A_43] : memref<1000x64xi32, #tpu.memory_space<hbm>> -> memref<1000x64xi32, #tpu.memory_space<hbm>>
    %dma_start3A_45 = tpu.memref_slice %arg18[%dma_start3A_38, %dma_start3A_39] : memref<4x2x!tpu.dma_semaphore, #tpu.memory_space<semaphore_mem>> -> memref<1x1x!tpu.dma_semaphore, #tpu.memory_space<semaphore_mem>>
    %dma_start3A_46 = tpu.memref_squeeze %dma_start3A_45 : memref<1x1x!tpu.dma_semaphore, #tpu.memory_space<semaphore_mem>> -> memref<!tpu.dma_semaphore, #tpu.memory_space<semaphore_mem>>
    tpu.enqueue_indirect_dma source(%dma_start3A_44 : memref<1000x64xi32, #tpu.memory_space<hbm>>) target(%arg11 : memref<64x64xi32, #tpu.memory_space<vmem>>) offsets(%dma_start3A_41 : memref<64xi32, #tpu.memory_space<vmem>>) semaphore(%dma_start3A_46 : memref<!tpu.dma_semaphore, #tpu.memory_space<semaphore_mem>>)
    %dma_start3A_47 = arith.constant 2 : i32
    %dma_start3A_48 = arith.constant 1 : i32
    %dma_start3A_49 = arith.constant 128 : i32
    %dma_start3A_50 = tpu.memref_slice %arg8[%dma_start3A_49] : memref<512xi32, #tpu.memory_space<vmem>> -> memref<64xi32, #tpu.memory_space<vmem>>
    %dma_start3A_51 = arith.constant 0 : i32
    %dma_start3A_52 = arith.constant 0 : i32
    %dma_start3A_53 = tpu.memref_slice %arg5[%dma_start3A_51, %dma_start3A_52] : memref<1000x64xi32, #tpu.memory_space<hbm>> -> memref<1000x64xi32, #tpu.memory_space<hbm>>
    %dma_start3A_54 = tpu.memref_slice %arg18[%dma_start3A_47, %dma_start3A_48] : memref<4x2x!tpu.dma_semaphore, #tpu.memory_space<semaphore_mem>> -> memref<1x1x!tpu.dma_semaphore, #tpu.memory_space<semaphore_mem>>
    %dma_start3A_55 = tpu.memref_squeeze %dma_start3A_54 : memref<1x1x!tpu.dma_semaphore, #tpu.memory_space<semaphore_mem>> -> memref<!tpu.dma_semaphore, #tpu.memory_space<semaphore_mem>>
    tpu.enqueue_indirect_dma source(%dma_start3A_53 : memref<1000x64xi32, #tpu.memory_space<hbm>>) target(%arg15 : memref<64x64xi32, #tpu.memory_space<vmem>>) offsets(%dma_start3A_50 : memref<64xi32, #tpu.memory_space<vmem>>) semaphore(%dma_start3A_55 : memref<!tpu.dma_semaphore, #tpu.memory_space<semaphore_mem>>)
    %dma_start3A_56 = arith.constant 3 : i32
    %dma_start3A_57 = arith.constant 0 : i32
    %dma_start3A_58 = arith.constant 192 : i32
    %dma_start3A_59 = tpu.memref_slice %arg7[%dma_start3A_58] : memref<512xi32, #tpu.memory_space<vmem>> -> memref<64xi32, #tpu.memory_space<vmem>>
    %dma_start3A_60 = arith.constant 0 : i32
    %dma_start3A_61 = arith.constant 0 : i32
    %dma_start3A_62 = tpu.memref_slice %arg4[%dma_start3A_60, %dma_start3A_61] : memref<1000x64xi32, #tpu.memory_space<hbm>> -> memref<1000x64xi32, #tpu.memory_space<hbm>>
    %dma_start3A_63 = tpu.memref_slice %arg18[%dma_start3A_56, %dma_start3A_57] : memref<4x2x!tpu.dma_semaphore, #tpu.memory_space<semaphore_mem>> -> memref<1x1x!tpu.dma_semaphore, #tpu.memory_space<semaphore_mem>>
    %dma_start3A_64 = tpu.memref_squeeze %dma_start3A_63 : memref<1x1x!tpu.dma_semaphore, #tpu.memory_space<semaphore_mem>> -> memref<!tpu.dma_semaphore, #tpu.memory_space<semaphore_mem>>
    tpu.enqueue_indirect_dma source(%dma_start3A_62 : memref<1000x64xi32, #tpu.memory_space<hbm>>) target(%arg12 : memref<64x64xi32, #tpu.memory_space<vmem>>) offsets(%dma_start3A_59 : memref<64xi32, #tpu.memory_space<vmem>>) semaphore(%dma_start3A_64 : memref<!tpu.dma_semaphore, #tpu.memory_space<semaphore_mem>>)
    %dma_start3A_65 = arith.constant 3 : i32
    %dma_start3A_66 = arith.constant 1 : i32
    %dma_start3A_67 = arith.constant 192 : i32
    %dma_start3A_68 = tpu.memref_slice %arg8[%dma_start3A_67] : memref<512xi32, #tpu.memory_space<vmem>> -> memref<64xi32, #tpu.memory_space<vmem>>
    %dma_start3A_69 = arith.constant 0 : i32
    %dma_start3A_70 = arith.constant 0 : i32
    %dma_start3A_71 = tpu.memref_slice %arg5[%dma_start3A_69, %dma_start3A_70] : memref<1000x64xi32, #tpu.memory_space<hbm>> -> memref<1000x64xi32, #tpu.memory_space<hbm>>
    %dma_start3A_72 = tpu.memref_slice %arg18[%dma_start3A_65, %dma_start3A_66] : memref<4x2x!tpu.dma_semaphore, #tpu.memory_space<semaphore_mem>> -> memref<1x1x!tpu.dma_semaphore, #tpu.memory_space<semaphore_mem>>
    %dma_start3A_73 = tpu.memref_squeeze %dma_start3A_72 : memref<1x1x!tpu.dma_semaphore, #tpu.memory_space<semaphore_mem>> -> memref<!tpu.dma_semaphore, #tpu.memory_space<semaphore_mem>>
    tpu.enqueue_indirect_dma source(%dma_start3A_71 : memref<1000x64xi32, #tpu.memory_space<hbm>>) target(%arg16 : memref<64x64xi32, #tpu.memory_space<vmem>>) offsets(%dma_start3A_68 : memref<64xi32, #tpu.memory_space<vmem>>) semaphore(%dma_start3A_73 : memref<!tpu.dma_semaphore, #tpu.memory_space<semaphore_mem>>)
    %scan3A = arith.constant 0 : i32
    %scan3A_74 = arith.constant 0 : i32
    %scan3A_75 = arith.constant 2 : i32
    %scan3A_76 = arith.addi %scan3A_74, %scan3A_75 : i32
    %scan3A_77 = arith.constant 1 : i32
    %scan3A_78 = scf.for %scan3A_80 = %scan3A_74 to %scan3A_76 step %scan3A_77 iter_args(%scan3A_81 = %scan3A) -> (i32)  : i32 {
      %mul3A_82 = arith.constant 4 : i32
      %mul3A_83 = arith.muli %scan3A_80, %mul3A_82 : i32
      %add3A_84 = arith.constant 0 : i32
      %add3A_85 = arith.addi %mul3A_83, %add3A_84 : i32
      %dma_wait3A = arith.constant 0 : i32
      %dma_wait3A_86 = arith.constant 0 : i32
      %dma_wait3A_87 = arith.constant 0 : i32
      %dma_wait3A_88 = tpu.memref_slice %arg7[%dma_wait3A_87] : memref<512xi32, #tpu.memory_space<vmem>> -> memref<64xi32, #tpu.memory_space<vmem>>
      %dma_wait3A_89 = arith.constant 0 : i32
      %dma_wait3A_90 = arith.constant 0 : i32
      %dma_wait3A_91 = tpu.memref_slice %arg4[%dma_wait3A_89, %dma_wait3A_90] : memref<1000x64xi32, #tpu.memory_space<hbm>> -> memref<1000x64xi32, #tpu.memory_space<hbm>>
      %dma_wait3A_92 = tpu.memref_slice %arg18[%dma_wait3A, %dma_wait3A_86] : memref<4x2x!tpu.dma_semaphore, #tpu.memory_space<semaphore_mem>> -> memref<1x1x!tpu.dma_semaphore, #tpu.memory_space<semaphore_mem>>
      %dma_wait3A_93 = tpu.memref_squeeze %dma_wait3A_92 : memref<1x1x!tpu.dma_semaphore, #tpu.memory_space<semaphore_mem>> -> memref<!tpu.dma_semaphore, #tpu.memory_space<semaphore_mem>>
      tpu.wait_indirect_dma semaphore(%dma_wait3A_93 : memref<!tpu.dma_semaphore, #tpu.memory_space<semaphore_mem>>) src(%dma_wait3A_91 : memref<1000x64xi32, #tpu.memory_space<hbm>>) dst(%arg9 : memref<64x64xi32, #tpu.memory_space<vmem>>)
      %dma_wait3A_94 = arith.constant 0 : i32
      %dma_wait3A_95 = arith.constant 1 : i32
      %dma_wait3A_96 = arith.constant 0 : i32
      %dma_wait3A_97 = tpu.memref_slice %arg8[%dma_wait3A_96] : memref<512xi32, #tpu.memory_space<vmem>> -> memref<64xi32, #tpu.memory_space<vmem>>
      %dma_wait3A_98 = arith.constant 0 : i32
      %dma_wait3A_99 = arith.constant 0 : i32
      %dma_wait3A_100 = tpu.memref_slice %arg5[%dma_wait3A_98, %dma_wait3A_99] : memref<1000x64xi32, #tpu.memory_space<hbm>> -> memref<1000x64xi32, #tpu.memory_space<hbm>>
      %dma_wait3A_101 = tpu.memref_slice %arg18[%dma_wait3A_94, %dma_wait3A_95] : memref<4x2x!tpu.dma_semaphore, #tpu.memory_space<semaphore_mem>> -> memref<1x1x!tpu.dma_semaphore, #tpu.memory_space<semaphore_mem>>
      %dma_wait3A_102 = tpu.memref_squeeze %dma_wait3A_101 : memref<1x1x!tpu.dma_semaphore, #tpu.memory_space<semaphore_mem>> -> memref<!tpu.dma_semaphore, #tpu.memory_space<semaphore_mem>>
      tpu.wait_indirect_dma semaphore(%dma_wait3A_102 : memref<!tpu.dma_semaphore, #tpu.memory_space<semaphore_mem>>) src(%dma_wait3A_100 : memref<1000x64xi32, #tpu.memory_space<hbm>>) dst(%arg13 : memref<64x64xi32, #tpu.memory_space<vmem>>)
      %scan3A_103 = arith.constant 0 : i32
      %scan3A_104 = arith.constant 0 : i32
      %scan3A_105 = arith.constant 4 : i32
      %scan3A_106 = arith.addi %scan3A_104, %scan3A_105 : i32
      %scan3A_107 = arith.constant 1 : i32
      %scan3A_108 = scf.for %scan3A_217 = %scan3A_104 to %scan3A_106 step %scan3A_107 iter_args(%scan3A_218 = %scan3A_103) -> (i32)  : i32 {
        %mul3A_219 = arith.constant 16 : i32
        %mul3A_220 = arith.muli %scan3A_217, %mul3A_219 : i32
        %add3A_221 = vector.broadcast %mul3A_220 : i32 to vector<16xi32>
        %add3A_222 = arith.addi %iota3A, %add3A_221 : vector<16xi32>
        %broadcast_in_dim3A = arith.constant 0.000000e+00 : f32
        %broadcast_in_dim3A_223 = vector.broadcast %broadcast_in_dim3A : f32 to vector<16xf32>
        %scan3A_224 = arith.constant 0 : i32
        %scan3A_225 = arith.constant 8 : i32
        %scan3A_226 = arith.addi %scan3A_224, %scan3A_225 : i32
        %scan3A_227 = arith.constant 1 : i32
        %scan3A_228 = scf.for %scan3A_244 = %scan3A_224 to %scan3A_226 step %scan3A_227 iter_args(%scan3A_245 = %broadcast_in_dim3A_223) -> (vector<16xf32>)  : i32 {
          %mul3A_246 = arith.constant 8 : i32
          %mul3A_247 = arith.muli %scan3A_244, %mul3A_246 : i32
          %add3A_248 = vector.broadcast %mul3A_247 : i32 to vector<16xi32>
          %add3A_249 = arith.addi %iota3A, %add3A_248 : vector<16xi32>
          %add3A_250 = arith.constant 0 : i32
          %add3A_251 = vector.broadcast %add3A_250 : i32 to vector<16xi32>
          %add3A_252 = arith.addi %add3A_249, %add3A_251 : vector<16xi32>
          %and3A = arith.constant 63 : i32
          %and3A_253 = vector.broadcast %and3A : i32 to vector<16xi32>
          %and3A_254 = arith.andi %add3A_252, %and3A_253 : vector<16xi32>
          %gather3A = tpu.vector_load_idx %arg9[%add3A_222, %and3A_254] : memref<64x64xi32, #tpu.memory_space<vmem>>[vector<16xi32>, vector<16xi32>], vector<16xi32>,
          %gather3A_255 = tpu.vector_load_idx %arg13[%add3A_222, %and3A_254] : memref<64x64xi32, #tpu.memory_space<vmem>>[vector<16xi32>, vector<16xi32>], vector<16xi32>,
          %bitcast3A = vector.bitcast %gather3A : vector<16xi32> to vector<32xbf16>
          %unpack3A = tpu.unpack_subelements %bitcast3A, 0 {pack_format = #tpu.pack_format<interleaved>} : vector<32xbf16> -> vector<16xf32>
          %unpack3A_256 = tpu.unpack_subelements %bitcast3A, 1 {pack_format = #tpu.pack_format<interleaved>} : vector<32xbf16> -> vector<16xf32>
          %bitcast3A_257 = vector.bitcast %gather3A_255 : vector<16xi32> to vector<32xbf16>
          %unpack3A_258 = tpu.unpack_subelements %bitcast3A_257, 0 {pack_format = #tpu.pack_format<interleaved>} : vector<32xbf16> -> vector<16xf32>
          %unpack3A_259 = tpu.unpack_subelements %bitcast3A_257, 1 {pack_format = #tpu.pack_format<interleaved>} : vector<32xbf16> -> vector<16xf32>
          %mul3A_260 = arith.mulf %unpack3A, %unpack3A_258 : vector<16xf32>
          %add3A_261 = arith.addf %scan3A_245, %mul3A_260 : vector<16xf32>
          %mul3A_262 = arith.mulf %unpack3A_256, %unpack3A_259 : vector<16xf32>
          %add3A_263 = arith.addf %add3A_261, %mul3A_262 : vector<16xf32>
          %add3A_264 = arith.constant 1 : i32
          %add3A_265 = vector.broadcast %add3A_264 : i32 to vector<16xi32>
          %add3A_266 = arith.addi %add3A_249, %add3A_265 : vector<16xi32>
          %and3A_267 = arith.constant 63 : i32
          %and3A_268 = vector.broadcast %and3A_267 : i32 to vector<16xi32>
          %and3A_269 = arith.andi %add3A_266, %and3A_268 : vector<16xi32>
          %gather3A_270 = tpu.vector_load_idx %arg9[%add3A_222, %and3A_269] : memref<64x64xi32, #tpu.memory_space<vmem>>[vector<16xi32>, vector<16xi32>], vector<16xi32>,
          %gather3A_271 = tpu.vector_load_idx %arg13[%add3A_222, %and3A_269] : memref<64x64xi32, #tpu.memory_space<vmem>>[vector<16xi32>, vector<16xi32>], vector<16xi32>,
          %bitcast3A_272 = vector.bitcast %gather3A_270 : vector<16xi32> to vector<32xbf16>
          %unpack3A_273 = tpu.unpack_subelements %bitcast3A_272, 0 {pack_format = #tpu.pack_format<interleaved>} : vector<32xbf16> -> vector<16xf32>
          %unpack3A_274 = tpu.unpack_subelements %bitcast3A_272, 1 {pack_format = #tpu.pack_format<interleaved>} : vector<32xbf16> -> vector<16xf32>
          %bitcast3A_275 = vector.bitcast %gather3A_271 : vector<16xi32> to vector<32xbf16>
          %unpack3A_276 = tpu.unpack_subelements %bitcast3A_275, 0 {pack_format = #tpu.pack_format<interleaved>} : vector<32xbf16> -> vector<16xf32>
          %unpack3A_277 = tpu.unpack_subelements %bitcast3A_275, 1 {pack_format = #tpu.pack_format<interleaved>} : vector<32xbf16> -> vector<16xf32>
          %mul3A_278 = arith.mulf %unpack3A_273, %unpack3A_276 : vector<16xf32>
          %add3A_279 = arith.addf %add3A_263, %mul3A_278 : vector<16xf32>
          %mul3A_280 = arith.mulf %unpack3A_274, %unpack3A_277 : vector<16xf32>
          %add3A_281 = arith.addf %add3A_279, %mul3A_280 : vector<16xf32>
          %add3A_282 = arith.constant 2 : i32
          %add3A_283 = vector.broadcast %add3A_282 : i32 to vector<16xi32>
          %add3A_284 = arith.addi %add3A_249, %add3A_283 : vector<16xi32>
          %and3A_285 = arith.constant 63 : i32
          %and3A_286 = vector.broadcast %and3A_285 : i32 to vector<16xi32>
          %and3A_287 = arith.andi %add3A_284, %and3A_286 : vector<16xi32>
          %gather3A_288 = tpu.vector_load_idx %arg9[%add3A_222, %and3A_287] : memref<64x64xi32, #tpu.memory_space<vmem>>[vector<16xi32>, vector<16xi32>], vector<16xi32>,
          %gather3A_289 = tpu.vector_load_idx %arg13[%add3A_222, %and3A_287] : memref<64x64xi32, #tpu.memory_space<vmem>>[vector<16xi32>, vector<16xi32>], vector<16xi32>,
          %bitcast3A_290 = vector.bitcast %gather3A_288 : vector<16xi32> to vector<32xbf16>
          %unpack3A_291 = tpu.unpack_subelements %bitcast3A_290, 0 {pack_format = #tpu.pack_format<interleaved>} : vector<32xbf16> -> vector<16xf32>
          %unpack3A_292 = tpu.unpack_subelements %bitcast3A_290, 1 {pack_format = #tpu.pack_format<interleaved>} : vector<32xbf16> -> vector<16xf32>
          %bitcast3A_293 = vector.bitcast %gather3A_289 : vector<16xi32> to vector<32xbf16>
          %unpack3A_294 = tpu.unpack_subelements %bitcast3A_293, 0 {pack_format = #tpu.pack_format<interleaved>} : vector<32xbf16> -> vector<16xf32>
          %unpack3A_295 = tpu.unpack_subelements %bitcast3A_293, 1 {pack_format = #tpu.pack_format<interleaved>} : vector<32xbf16> -> vector<16xf32>
          %mul3A_296 = arith.mulf %unpack3A_291, %unpack3A_294 : vector<16xf32>
          %add3A_297 = arith.addf %add3A_281, %mul3A_296 : vector<16xf32>
          %mul3A_298 = arith.mulf %unpack3A_292, %unpack3A_295 : vector<16xf32>
          %add3A_299 = arith.addf %add3A_297, %mul3A_298 : vector<16xf32>
          %add3A_300 = arith.constant 3 : i32
          %add3A_301 = vector.broadcast %add3A_300 : i32 to vector<16xi32>
          %add3A_302 = arith.addi %add3A_249, %add3A_301 : vector<16xi32>
          %and3A_303 = arith.constant 63 : i32
          %and3A_304 = vector.broadcast %and3A_303 : i32 to vector<16xi32>
          %and3A_305 = arith.andi %add3A_302, %and3A_304 : vector<16xi32>
          %gather3A_306 = tpu.vector_load_idx %arg9[%add3A_222, %and3A_305] : memref<64x64xi32, #tpu.memory_space<vmem>>[vector<16xi32>, vector<16xi32>], vector<16xi32>,
          %gather3A_307 = tpu.vector_load_idx %arg13[%add3A_222, %and3A_305] : memref<64x64xi32, #tpu.memory_space<vmem>>[vector<16xi32>, vector<16xi32>], vector<16xi32>,
          %bitcast3A_308 = vector.bitcast %gather3A_306 : vector<16xi32> to vector<32xbf16>
          %unpack3A_309 = tpu.unpack_subelements %bitcast3A_308, 0 {pack_format = #tpu.pack_format<interleaved>} : vector<32xbf16> -> vector<16xf32>
          %unpack3A_310 = tpu.unpack_subelements %bitcast3A_308, 1 {pack_format = #tpu.pack_format<interleaved>} : vector<32xbf16> -> vector<16xf32>
          %bitcast3A_311 = vector.bitcast %gather3A_307 : vector<16xi32> to vector<32xbf16>
          %unpack3A_312 = tpu.unpack_subelements %bitcast3A_311, 0 {pack_format = #tpu.pack_format<interleaved>} : vector<32xbf16> -> vector<16xf32>
          %unpack3A_313 = tpu.unpack_subelements %bitcast3A_311, 1 {pack_format = #tpu.pack_format<interleaved>} : vector<32xbf16> -> vector<16xf32>
          %mul3A_314 = arith.mulf %unpack3A_309, %unpack3A_312 : vector<16xf32>
          %add3A_315 = arith.addf %add3A_299, %mul3A_314 : vector<16xf32>
          %mul3A_316 = arith.mulf %unpack3A_310, %unpack3A_313 : vector<16xf32>
          %add3A_317 = arith.addf %add3A_315, %mul3A_316 : vector<16xf32>
          %add3A_318 = arith.constant 4 : i32
          %add3A_319 = vector.broadcast %add3A_318 : i32 to vector<16xi32>
          %add3A_320 = arith.addi %add3A_249, %add3A_319 : vector<16xi32>
          %and3A_321 = arith.constant 63 : i32
          %and3A_322 = vector.broadcast %and3A_321 : i32 to vector<16xi32>
          %and3A_323 = arith.andi %add3A_320, %and3A_322 : vector<16xi32>
          %gather3A_324 = tpu.vector_load_idx %arg9[%add3A_222, %and3A_323] : memref<64x64xi32, #tpu.memory_space<vmem>>[vector<16xi32>, vector<16xi32>], vector<16xi32>,
          %gather3A_325 = tpu.vector_load_idx %arg13[%add3A_222, %and3A_323] : memref<64x64xi32, #tpu.memory_space<vmem>>[vector<16xi32>, vector<16xi32>], vector<16xi32>,
          %bitcast3A_326 = vector.bitcast %gather3A_324 : vector<16xi32> to vector<32xbf16>
          %unpack3A_327 = tpu.unpack_subelements %bitcast3A_326, 0 {pack_format = #tpu.pack_format<interleaved>} : vector<32xbf16> -> vector<16xf32>
          %unpack3A_328 = tpu.unpack_subelements %bitcast3A_326, 1 {pack_format = #tpu.pack_format<interleaved>} : vector<32xbf16> -> vector<16xf32>
          %bitcast3A_329 = vector.bitcast %gather3A_325 : vector<16xi32> to vector<32xbf16>
          %unpack3A_330 = tpu.unpack_subelements %bitcast3A_329, 0 {pack_format = #tpu.pack_format<interleaved>} : vector<32xbf16> -> vector<16xf32>
          %unpack3A_331 = tpu.unpack_subelements %bitcast3A_329, 1 {pack_format = #tpu.pack_format<interleaved>} : vector<32xbf16> -> vector<16xf32>
          %mul3A_332 = arith.mulf %unpack3A_327, %unpack3A_330 : vector<16xf32>
          %add3A_333 = arith.addf %add3A_317, %mul3A_332 : vector<16xf32>
          %mul3A_334 = arith.mulf %unpack3A_328, %unpack3A_331 : vector<16xf32>
          %add3A_335 = arith.addf %add3A_333, %mul3A_334 : vector<16xf32>
          %add3A_336 = arith.constant 5 : i32
          %add3A_337 = vector.broadcast %add3A_336 : i32 to vector<16xi32>
          %add3A_338 = arith.addi %add3A_249, %add3A_337 : vector<16xi32>
          %and3A_339 = arith.constant 63 : i32
          %and3A_340 = vector.broadcast %and3A_339 : i32 to vector<16xi32>
          %and3A_341 = arith.andi %add3A_338, %and3A_340 : vector<16xi32>
          %gather3A_342 = tpu.vector_load_idx %arg9[%add3A_222, %and3A_341] : memref<64x64xi32, #tpu.memory_space<vmem>>[vector<16xi32>, vector<16xi32>], vector<16xi32>,
          %gather3A_343 = tpu.vector_load_idx %arg13[%add3A_222, %and3A_341] : memref<64x64xi32, #tpu.memory_space<vmem>>[vector<16xi32>, vector<16xi32>], vector<16xi32>,
          %bitcast3A_344 = vector.bitcast %gather3A_342 : vector<16xi32> to vector<32xbf16>
          %unpack3A_345 = tpu.unpack_subelements %bitcast3A_344, 0 {pack_format = #tpu.pack_format<interleaved>} : vector<32xbf16> -> vector<16xf32>
          %unpack3A_346 = tpu.unpack_subelements %bitcast3A_344, 1 {pack_format = #tpu.pack_format<interleaved>} : vector<32xbf16> -> vector<16xf32>
          %bitcast3A_347 = vector.bitcast %gather3A_343 : vector<16xi32> to vector<32xbf16>
          %unpack3A_348 = tpu.unpack_subelements %bitcast3A_347, 0 {pack_format = #tpu.pack_format<interleaved>} : vector<32xbf16> -> vector<16xf32>
          %unpack3A_349 = tpu.unpack_subelements %bitcast3A_347, 1 {pack_format = #tpu.pack_format<interleaved>} : vector<32xbf16> -> vector<16xf32>
          %mul3A_350 = arith.mulf %unpack3A_345, %unpack3A_348 : vector<16xf32>
          %add3A_351 = arith.addf %add3A_335, %mul3A_350 : vector<16xf32>
          %mul3A_352 = arith.mulf %unpack3A_346, %unpack3A_349 : vector<16xf32>
          %add3A_353 = arith.addf %add3A_351, %mul3A_352 : vector<16xf32>
          %add3A_354 = arith.constant 6 : i32
          %add3A_355 = vector.broadcast %add3A_354 : i32 to vector<16xi32>
          %add3A_356 = arith.addi %add3A_249, %add3A_355 : vector<16xi32>
          %and3A_357 = arith.constant 63 : i32
          %and3A_358 = vector.broadcast %and3A_357 : i32 to vector<16xi32>
          %and3A_359 = arith.andi %add3A_356, %and3A_358 : vector<16xi32>
          %gather3A_360 = tpu.vector_load_idx %arg9[%add3A_222, %and3A_359] : memref<64x64xi32, #tpu.memory_space<vmem>>[vector<16xi32>, vector<16xi32>], vector<16xi32>,
          %gather3A_361 = tpu.vector_load_idx %arg13[%add3A_222, %and3A_359] : memref<64x64xi32, #tpu.memory_space<vmem>>[vector<16xi32>, vector<16xi32>], vector<16xi32>,
          %bitcast3A_362 = vector.bitcast %gather3A_360 : vector<16xi32> to vector<32xbf16>
          %unpack3A_363 = tpu.unpack_subelements %bitcast3A_362, 0 {pack_format = #tpu.pack_format<interleaved>} : vector<32xbf16> -> vector<16xf32>
          %unpack3A_364 = tpu.unpack_subelements %bitcast3A_362, 1 {pack_format = #tpu.pack_format<interleaved>} : vector<32xbf16> -> vector<16xf32>
          %bitcast3A_365 = vector.bitcast %gather3A_361 : vector<16xi32> to vector<32xbf16>
          %unpack3A_366 = tpu.unpack_subelements %bitcast3A_365, 0 {pack_format = #tpu.pack_format<interleaved>} : vector<32xbf16> -> vector<16xf32>
          %unpack3A_367 = tpu.unpack_subelements %bitcast3A_365, 1 {pack_format = #tpu.pack_format<interleaved>} : vector<32xbf16> -> vector<16xf32>
          %mul3A_368 = arith.mulf %unpack3A_363, %unpack3A_366 : vector<16xf32>
          %add3A_369 = arith.addf %add3A_353, %mul3A_368 : vector<16xf32>
          %mul3A_370 = arith.mulf %unpack3A_364, %unpack3A_367 : vector<16xf32>
          %add3A_371 = arith.addf %add3A_369, %mul3A_370 : vector<16xf32>
          %add3A_372 = arith.constant 7 : i32
          %add3A_373 = vector.broadcast %add3A_372 : i32 to vector<16xi32>
          %add3A_374 = arith.addi %add3A_249, %add3A_373 : vector<16xi32>
          %and3A_375 = arith.constant 63 : i32
          %and3A_376 = vector.broadcast %and3A_375 : i32 to vector<16xi32>
          %and3A_377 = arith.andi %add3A_374, %and3A_376 : vector<16xi32>
          %gather3A_378 = tpu.vector_load_idx %arg9[%add3A_222, %and3A_377] : memref<64x64xi32, #tpu.memory_space<vmem>>[vector<16xi32>, vector<16xi32>], vector<16xi32>,
          %gather3A_379 = tpu.vector_load_idx %arg13[%add3A_222, %and3A_377] : memref<64x64xi32, #tpu.memory_space<vmem>>[vector<16xi32>, vector<16xi32>], vector<16xi32>,
          %bitcast3A_380 = vector.bitcast %gather3A_378 : vector<16xi32> to vector<32xbf16>
          %unpack3A_381 = tpu.unpack_subelements %bitcast3A_380, 0 {pack_format = #tpu.pack_format<interleaved>} : vector<32xbf16> -> vector<16xf32>
          %unpack3A_382 = tpu.unpack_subelements %bitcast3A_380, 1 {pack_format = #tpu.pack_format<interleaved>} : vector<32xbf16> -> vector<16xf32>
          %bitcast3A_383 = vector.bitcast %gather3A_379 : vector<16xi32> to vector<32xbf16>
          %unpack3A_384 = tpu.unpack_subelements %bitcast3A_383, 0 {pack_format = #tpu.pack_format<interleaved>} : vector<32xbf16> -> vector<16xf32>
          %unpack3A_385 = tpu.unpack_subelements %bitcast3A_383, 1 {pack_format = #tpu.pack_format<interleaved>} : vector<32xbf16> -> vector<16xf32>
          %mul3A_386 = arith.mulf %unpack3A_381, %unpack3A_384 : vector<16xf32>
          %add3A_387 = arith.addf %add3A_371, %mul3A_386 : vector<16xf32>
          %mul3A_388 = arith.mulf %unpack3A_382, %unpack3A_385 : vector<16xf32>
          %add3A_389 = arith.addf %add3A_387, %mul3A_388 : vector<16xf32>
          scf.yield %add3A_389 : vector<16xf32>
        }
        %scan3A_229 = arith.constant 8 : i32
        %neg3A = arith.constant 0.000000e+00 : f32
        %neg3A_230 = vector.broadcast %neg3A : f32 to vector<16xf32>
        %neg3A_231 = arith.subf %neg3A_230, %scan3A_228 : vector<16xf32>
        %exp3A = math.exp %neg3A_231 : vector<16xf32>
        %add3A_232 = arith.constant 1.000000e+00 : f32
        %add3A_233 = vector.broadcast %add3A_232 : f32 to vector<16xf32>
        %add3A_234 = arith.addf %add3A_233, %exp3A : vector<16xf32>
        %div3A = arith.constant 1.000000e+00 : f32
        %div3A_235 = vector.broadcast %div3A : f32 to vector<16xf32>
        %div3A_236 = arith.divf %div3A_235, %add3A_234 : vector<16xf32>
        %mul3A_237 = arith.constant 64 : i32
        %mul3A_238 = arith.muli %add3A_85, %mul3A_237 : i32
        %mul3A_239 = arith.constant 16 : i32
        %mul3A_240 = arith.muli %scan3A_217, %mul3A_239 : i32
        %add3A_241 = arith.addi %mul3A_238, %mul3A_240 : i32
        %swap3A = arith.index_cast %add3A_241 : i32 to index
        %swap3A_242 = tpu.vector_load %arg17[%swap3A] {strides = array<i32>} : memref<512xf32, #tpu.memory_space<vmem>>, vector<16xf32>,
        tpu.vector_store %arg17[%swap3A], %div3A_236 {strides = array<i32>} : memref<512xf32, #tpu.memory_space<vmem>>, vector<16xf32>,
        %scan3A_243 = arith.constant 0 : i32
        scf.yield %scan3A_243 : i32
      }
      %scan3A_109 = arith.constant 4 : i32
      %add3A_110 = arith.constant 4 : i32
      %add3A_111 = arith.addi %add3A_85, %add3A_110 : i32
      %lt3A = arith.constant 8 : i32
      %lt3A_112 = arith.cmpi slt, %add3A_111, %lt3A : i32
      %convert_element_type3A = arith.extui %lt3A_112 : i1 to i32
      %cond3A = arith.constant 0 : i32
      %cond3A_113 = arith.cmpi ne, %convert_element_type3A, %cond3A : i32
      scf.if %cond3A_113 {
        %mul3A_217 = arith.constant 64 : i32
        %mul3A_218 = arith.muli %add3A_111, %mul3A_217 : i32
        %dma_start3A_219 = arith.constant 0 : i32
        %dma_start3A_220 = arith.constant 0 : i32
        %dma_start3A_221 = tpu.memref_slice %arg7[%mul3A_218] : memref<512xi32, #tpu.memory_space<vmem>> -> memref<64xi32, #tpu.memory_space<vmem>>
        %dma_start3A_222 = arith.constant 0 : i32
        %dma_start3A_223 = arith.constant 0 : i32
        %dma_start3A_224 = tpu.memref_slice %arg4[%dma_start3A_222, %dma_start3A_223] : memref<1000x64xi32, #tpu.memory_space<hbm>> -> memref<1000x64xi32, #tpu.memory_space<hbm>>
        %dma_start3A_225 = tpu.memref_slice %arg18[%dma_start3A_219, %dma_start3A_220] : memref<4x2x!tpu.dma_semaphore, #tpu.memory_space<semaphore_mem>> -> memref<1x1x!tpu.dma_semaphore, #tpu.memory_space<semaphore_mem>>
        %dma_start3A_226 = tpu.memref_squeeze %dma_start3A_225 : memref<1x1x!tpu.dma_semaphore, #tpu.memory_space<semaphore_mem>> -> memref<!tpu.dma_semaphore, #tpu.memory_space<semaphore_mem>>
        tpu.enqueue_indirect_dma source(%dma_start3A_224 : memref<1000x64xi32, #tpu.memory_space<hbm>>) target(%arg9 : memref<64x64xi32, #tpu.memory_space<vmem>>) offsets(%dma_start3A_221 : memref<64xi32, #tpu.memory_space<vmem>>) semaphore(%dma_start3A_226 : memref<!tpu.dma_semaphore, #tpu.memory_space<semaphore_mem>>)
        %mul3A_227 = arith.constant 64 : i32
        %mul3A_228 = arith.muli %add3A_111, %mul3A_227 : i32
        %dma_start3A_229 = arith.constant 0 : i32
        %dma_start3A_230 = arith.constant 1 : i32
        %dma_start3A_231 = tpu.memref_slice %arg8[%mul3A_228] : memref<512xi32, #tpu.memory_space<vmem>> -> memref<64xi32, #tpu.memory_space<vmem>>
        %dma_start3A_232 = arith.constant 0 : i32
        %dma_start3A_233 = arith.constant 0 : i32
        %dma_start3A_234 = tpu.memref_slice %arg5[%dma_start3A_232, %dma_start3A_233] : memref<1000x64xi32, #tpu.memory_space<hbm>> -> memref<1000x64xi32, #tpu.memory_space<hbm>>
        %dma_start3A_235 = tpu.memref_slice %arg18[%dma_start3A_229, %dma_start3A_230] : memref<4x2x!tpu.dma_semaphore, #tpu.memory_space<semaphore_mem>> -> memref<1x1x!tpu.dma_semaphore, #tpu.memory_space<semaphore_mem>>
        %dma_start3A_236 = tpu.memref_squeeze %dma_start3A_235 : memref<1x1x!tpu.dma_semaphore, #tpu.memory_space<semaphore_mem>> -> memref<!tpu.dma_semaphore, #tpu.memory_space<semaphore_mem>>
        tpu.enqueue_indirect_dma source(%dma_start3A_234 : memref<1000x64xi32, #tpu.memory_space<hbm>>) target(%arg13 : memref<64x64xi32, #tpu.memory_space<vmem>>) offsets(%dma_start3A_231 : memref<64xi32, #tpu.memory_space<vmem>>) semaphore(%dma_start3A_236 : memref<!tpu.dma_semaphore, #tpu.memory_space<semaphore_mem>>)
      } else {
      }
      %add3A_114 = arith.constant 1 : i32
      %add3A_115 = arith.addi %mul3A_83, %add3A_114 : i32
      %dma_wait3A_116 = arith.constant 1 : i32
      %dma_wait3A_117 = arith.constant 0 : i32
      %dma_wait3A_118 = arith.constant 0 : i32
      %dma_wait3A_119 = tpu.memref_slice %arg7[%dma_wait3A_118] : memref<512xi32, #tpu.memory_space<vmem>> -> memref<64xi32, #tpu.memory_space<vmem>>
      %dma_wait3A_120 = arith.constant 0 : i32
      %dma_wait3A_121 = arith.constant 0 : i32
      %dma_wait3A_122 = tpu.memref_slice %arg4[%dma_wait3A_120, %dma_wait3A_121] : memref<1000x64xi32, #tpu.memory_space<hbm>> -> memref<1000x64xi32, #tpu.memory_space<hbm>>
      %dma_wait3A_123 = tpu.memref_slice %arg18[%dma_wait3A_116, %dma_wait3A_117] : memref<4x2x!tpu.dma_semaphore, #tpu.memory_space<semaphore_mem>> -> memref<1x1x!tpu.dma_semaphore, #tpu.memory_space<semaphore_mem>>
      %dma_wait3A_124 = tpu.memref_squeeze %dma_wait3A_123 : memref<1x1x!tpu.dma_semaphore, #tpu.memory_space<semaphore_mem>> -> memref<!tpu.dma_semaphore, #tpu.memory_space<semaphore_mem>>
      tpu.wait_indirect_dma semaphore(%dma_wait3A_124 : memref<!tpu.dma_semaphore, #tpu.memory_space<semaphore_mem>>) src(%dma_wait3A_122 : memref<1000x64xi32, #tpu.memory_space<hbm>>) dst(%arg10 : memref<64x64xi32, #tpu.memory_space<vmem>>)
      %dma_wait3A_125 = arith.constant 1 : i32
      %dma_wait3A_126 = arith.constant 1 : i32
      %dma_wait3A_127 = arith.constant 0 : i32
      %dma_wait3A_128 = tpu.memref_slice %arg8[%dma_wait3A_127] : memref<512xi32, #tpu.memory_space<vmem>> -> memref<64xi32, #tpu.memory_space<vmem>>
      %dma_wait3A_129 = arith.constant 0 : i32
      %dma_wait3A_130 = arith.constant 0 : i32
      %dma_wait3A_131 = tpu.memref_slice %arg5[%dma_wait3A_129, %dma_wait3A_130] : memref<1000x64xi32, #tpu.memory_space<hbm>> -> memref<1000x64xi32, #tpu.memory_space<hbm>>
      %dma_wait3A_132 = tpu.memref_slice %arg18[%dma_wait3A_125, %dma_wait3A_126] : memref<4x2x!tpu.dma_semaphore, #tpu.memory_space<semaphore_mem>> -> memref<1x1x!tpu.dma_semaphore, #tpu.memory_space<semaphore_mem>>
      %dma_wait3A_133 = tpu.memref_squeeze %dma_wait3A_132 : memref<1x1x!tpu.dma_semaphore, #tpu.memory_space<semaphore_mem>> -> memref<!tpu.dma_semaphore, #tpu.memory_space<semaphore_mem>>
      tpu.wait_indirect_dma semaphore(%dma_wait3A_133 : memref<!tpu.dma_semaphore, #tpu.memory_space<semaphore_mem>>) src(%dma_wait3A_131 : memref<1000x64xi32, #tpu.memory_space<hbm>>) dst(%arg14 : memref<64x64xi32, #tpu.memory_space<vmem>>)
      %scan3A_134 = arith.constant 0 : i32
      %scan3A_135 = arith.constant 0 : i32
      %scan3A_136 = arith.constant 4 : i32
      %scan3A_137 = arith.addi %scan3A_135, %scan3A_136 : i32
      %scan3A_138 = arith.constant 1 : i32
      %scan3A_139 = scf.for %scan3A_217 = %scan3A_135 to %scan3A_137 step %scan3A_138 iter_args(%scan3A_218 = %scan3A_134) -> (i32)  : i32 {
        %mul3A_219 = arith.constant 16 : i32
        %mul3A_220 = arith.muli %scan3A_217, %mul3A_219 : i32
        %add3A_221 = vector.broadcast %mul3A_220 : i32 to vector<16xi32>
        %add3A_222 = arith.addi %iota3A, %add3A_221 : vector<16xi32>
        %broadcast_in_dim3A = arith.constant 0.000000e+00 : f32
        %broadcast_in_dim3A_223 = vector.broadcast %broadcast_in_dim3A : f32 to vector<16xf32>
        %scan3A_224 = arith.constant 0 : i32
        %scan3A_225 = arith.constant 8 : i32
        %scan3A_226 = arith.addi %scan3A_224, %scan3A_225 : i32
        %scan3A_227 = arith.constant 1 : i32
        %scan3A_228 = scf.for %scan3A_244 = %scan3A_224 to %scan3A_226 step %scan3A_227 iter_args(%scan3A_245 = %broadcast_in_dim3A_223) -> (vector<16xf32>)  : i32 {
          %mul3A_246 = arith.constant 8 : i32
          %mul3A_247 = arith.muli %scan3A_244, %mul3A_246 : i32
          %add3A_248 = vector.broadcast %mul3A_247 : i32 to vector<16xi32>
          %add3A_249 = arith.addi %iota3A, %add3A_248 : vector<16xi32>
          %add3A_250 = arith.constant 0 : i32
          %add3A_251 = vector.broadcast %add3A_250 : i32 to vector<16xi32>
          %add3A_252 = arith.addi %add3A_249, %add3A_251 : vector<16xi32>
          %and3A = arith.constant 63 : i32
          %and3A_253 = vector.broadcast %and3A : i32 to vector<16xi32>
          %and3A_254 = arith.andi %add3A_252, %and3A_253 : vector<16xi32>
          %gather3A = tpu.vector_load_idx %arg10[%add3A_222, %and3A_254] : memref<64x64xi32, #tpu.memory_space<vmem>>[vector<16xi32>, vector<16xi32>], vector<16xi32>,
          %gather3A_255 = tpu.vector_load_idx %arg14[%add3A_222, %and3A_254] : memref<64x64xi32, #tpu.memory_space<vmem>>[vector<16xi32>, vector<16xi32>], vector<16xi32>,
          %bitcast3A = vector.bitcast %gather3A : vector<16xi32> to vector<32xbf16>
          %unpack3A = tpu.unpack_subelements %bitcast3A, 0 {pack_format = #tpu.pack_format<interleaved>} : vector<32xbf16> -> vector<16xf32>
          %unpack3A_256 = tpu.unpack_subelements %bitcast3A, 1 {pack_format = #tpu.pack_format<interleaved>} : vector<32xbf16> -> vector<16xf32>
          %bitcast3A_257 = vector.bitcast %gather3A_255 : vector<16xi32> to vector<32xbf16>
          %unpack3A_258 = tpu.unpack_subelements %bitcast3A_257, 0 {pack_format = #tpu.pack_format<interleaved>} : vector<32xbf16> -> vector<16xf32>
          %unpack3A_259 = tpu.unpack_subelements %bitcast3A_257, 1 {pack_format = #tpu.pack_format<interleaved>} : vector<32xbf16> -> vector<16xf32>
          %mul3A_260 = arith.mulf %unpack3A, %unpack3A_258 : vector<16xf32>
          %add3A_261 = arith.addf %scan3A_245, %mul3A_260 : vector<16xf32>
          %mul3A_262 = arith.mulf %unpack3A_256, %unpack3A_259 : vector<16xf32>
          %add3A_263 = arith.addf %add3A_261, %mul3A_262 : vector<16xf32>
          %add3A_264 = arith.constant 1 : i32
          %add3A_265 = vector.broadcast %add3A_264 : i32 to vector<16xi32>
          %add3A_266 = arith.addi %add3A_249, %add3A_265 : vector<16xi32>
          %and3A_267 = arith.constant 63 : i32
          %and3A_268 = vector.broadcast %and3A_267 : i32 to vector<16xi32>
          %and3A_269 = arith.andi %add3A_266, %and3A_268 : vector<16xi32>
          %gather3A_270 = tpu.vector_load_idx %arg10[%add3A_222, %and3A_269] : memref<64x64xi32, #tpu.memory_space<vmem>>[vector<16xi32>, vector<16xi32>], vector<16xi32>,
          %gather3A_271 = tpu.vector_load_idx %arg14[%add3A_222, %and3A_269] : memref<64x64xi32, #tpu.memory_space<vmem>>[vector<16xi32>, vector<16xi32>], vector<16xi32>,
          %bitcast3A_272 = vector.bitcast %gather3A_270 : vector<16xi32> to vector<32xbf16>
          %unpack3A_273 = tpu.unpack_subelements %bitcast3A_272, 0 {pack_format = #tpu.pack_format<interleaved>} : vector<32xbf16> -> vector<16xf32>
          %unpack3A_274 = tpu.unpack_subelements %bitcast3A_272, 1 {pack_format = #tpu.pack_format<interleaved>} : vector<32xbf16> -> vector<16xf32>
          %bitcast3A_275 = vector.bitcast %gather3A_271 : vector<16xi32> to vector<32xbf16>
          %unpack3A_276 = tpu.unpack_subelements %bitcast3A_275, 0 {pack_format = #tpu.pack_format<interleaved>} : vector<32xbf16> -> vector<16xf32>
          %unpack3A_277 = tpu.unpack_subelements %bitcast3A_275, 1 {pack_format = #tpu.pack_format<interleaved>} : vector<32xbf16> -> vector<16xf32>
          %mul3A_278 = arith.mulf %unpack3A_273, %unpack3A_276 : vector<16xf32>
          %add3A_279 = arith.addf %add3A_263, %mul3A_278 : vector<16xf32>
          %mul3A_280 = arith.mulf %unpack3A_274, %unpack3A_277 : vector<16xf32>
          %add3A_281 = arith.addf %add3A_279, %mul3A_280 : vector<16xf32>
          %add3A_282 = arith.constant 2 : i32
          %add3A_283 = vector.broadcast %add3A_282 : i32 to vector<16xi32>
          %add3A_284 = arith.addi %add3A_249, %add3A_283 : vector<16xi32>
          %and3A_285 = arith.constant 63 : i32
          %and3A_286 = vector.broadcast %and3A_285 : i32 to vector<16xi32>
          %and3A_287 = arith.andi %add3A_284, %and3A_286 : vector<16xi32>
          %gather3A_288 = tpu.vector_load_idx %arg10[%add3A_222, %and3A_287] : memref<64x64xi32, #tpu.memory_space<vmem>>[vector<16xi32>, vector<16xi32>], vector<16xi32>,
          %gather3A_289 = tpu.vector_load_idx %arg14[%add3A_222, %and3A_287] : memref<64x64xi32, #tpu.memory_space<vmem>>[vector<16xi32>, vector<16xi32>], vector<16xi32>,
          %bitcast3A_290 = vector.bitcast %gather3A_288 : vector<16xi32> to vector<32xbf16>
          %unpack3A_291 = tpu.unpack_subelements %bitcast3A_290, 0 {pack_format = #tpu.pack_format<interleaved>} : vector<32xbf16> -> vector<16xf32>
          %unpack3A_292 = tpu.unpack_subelements %bitcast3A_290, 1 {pack_format = #tpu.pack_format<interleaved>} : vector<32xbf16> -> vector<16xf32>
          %bitcast3A_293 = vector.bitcast %gather3A_289 : vector<16xi32> to vector<32xbf16>
          %unpack3A_294 = tpu.unpack_subelements %bitcast3A_293, 0 {pack_format = #tpu.pack_format<interleaved>} : vector<32xbf16> -> vector<16xf32>
          %unpack3A_295 = tpu.unpack_subelements %bitcast3A_293, 1 {pack_format = #tpu.pack_format<interleaved>} : vector<32xbf16> -> vector<16xf32>
          %mul3A_296 = arith.mulf %unpack3A_291, %unpack3A_294 : vector<16xf32>
          %add3A_297 = arith.addf %add3A_281, %mul3A_296 : vector<16xf32>
          %mul3A_298 = arith.mulf %unpack3A_292, %unpack3A_295 : vector<16xf32>
          %add3A_299 = arith.addf %add3A_297, %mul3A_298 : vector<16xf32>
          %add3A_300 = arith.constant 3 : i32
          %add3A_301 = vector.broadcast %add3A_300 : i32 to vector<16xi32>
          %add3A_302 = arith.addi %add3A_249, %add3A_301 : vector<16xi32>
          %and3A_303 = arith.constant 63 : i32
          %and3A_304 = vector.broadcast %and3A_303 : i32 to vector<16xi32>
          %and3A_305 = arith.andi %add3A_302, %and3A_304 : vector<16xi32>
          %gather3A_306 = tpu.vector_load_idx %arg10[%add3A_222, %and3A_305] : memref<64x64xi32, #tpu.memory_space<vmem>>[vector<16xi32>, vector<16xi32>], vector<16xi32>,
          %gather3A_307 = tpu.vector_load_idx %arg14[%add3A_222, %and3A_305] : memref<64x64xi32, #tpu.memory_space<vmem>>[vector<16xi32>, vector<16xi32>], vector<16xi32>,
          %bitcast3A_308 = vector.bitcast %gather3A_306 : vector<16xi32> to vector<32xbf16>
          %unpack3A_309 = tpu.unpack_subelements %bitcast3A_308, 0 {pack_format = #tpu.pack_format<interleaved>} : vector<32xbf16> -> vector<16xf32>
          %unpack3A_310 = tpu.unpack_subelements %bitcast3A_308, 1 {pack_format = #tpu.pack_format<interleaved>} : vector<32xbf16> -> vector<16xf32>
          %bitcast3A_311 = vector.bitcast %gather3A_307 : vector<16xi32> to vector<32xbf16>
          %unpack3A_312 = tpu.unpack_subelements %bitcast3A_311, 0 {pack_format = #tpu.pack_format<interleaved>} : vector<32xbf16> -> vector<16xf32>
          %unpack3A_313 = tpu.unpack_subelements %bitcast3A_311, 1 {pack_format = #tpu.pack_format<interleaved>} : vector<32xbf16> -> vector<16xf32>
          %mul3A_314 = arith.mulf %unpack3A_309, %unpack3A_312 : vector<16xf32>
          %add3A_315 = arith.addf %add3A_299, %mul3A_314 : vector<16xf32>
          %mul3A_316 = arith.mulf %unpack3A_310, %unpack3A_313 : vector<16xf32>
          %add3A_317 = arith.addf %add3A_315, %mul3A_316 : vector<16xf32>
          %add3A_318 = arith.constant 4 : i32
          %add3A_319 = vector.broadcast %add3A_318 : i32 to vector<16xi32>
          %add3A_320 = arith.addi %add3A_249, %add3A_319 : vector<16xi32>
          %and3A_321 = arith.constant 63 : i32
          %and3A_322 = vector.broadcast %and3A_321 : i32 to vector<16xi32>
          %and3A_323 = arith.andi %add3A_320, %and3A_322 : vector<16xi32>
          %gather3A_324 = tpu.vector_load_idx %arg10[%add3A_222, %and3A_323] : memref<64x64xi32, #tpu.memory_space<vmem>>[vector<16xi32>, vector<16xi32>], vector<16xi32>,
          %gather3A_325 = tpu.vector_load_idx %arg14[%add3A_222, %and3A_323] : memref<64x64xi32, #tpu.memory_space<vmem>>[vector<16xi32>, vector<16xi32>], vector<16xi32>,
          %bitcast3A_326 = vector.bitcast %gather3A_324 : vector<16xi32> to vector<32xbf16>
          %unpack3A_327 = tpu.unpack_subelements %bitcast3A_326, 0 {pack_format = #tpu.pack_format<interleaved>} : vector<32xbf16> -> vector<16xf32>
          %unpack3A_328 = tpu.unpack_subelements %bitcast3A_326, 1 {pack_format = #tpu.pack_format<interleaved>} : vector<32xbf16> -> vector<16xf32>
          %bitcast3A_329 = vector.bitcast %gather3A_325 : vector<16xi32> to vector<32xbf16>
          %unpack3A_330 = tpu.unpack_subelements %bitcast3A_329, 0 {pack_format = #tpu.pack_format<interleaved>} : vector<32xbf16> -> vector<16xf32>
          %unpack3A_331 = tpu.unpack_subelements %bitcast3A_329, 1 {pack_format = #tpu.pack_format<interleaved>} : vector<32xbf16> -> vector<16xf32>
          %mul3A_332 = arith.mulf %unpack3A_327, %unpack3A_330 : vector<16xf32>
          %add3A_333 = arith.addf %add3A_317, %mul3A_332 : vector<16xf32>
          %mul3A_334 = arith.mulf %unpack3A_328, %unpack3A_331 : vector<16xf32>
          %add3A_335 = arith.addf %add3A_333, %mul3A_334 : vector<16xf32>
          %add3A_336 = arith.constant 5 : i32
          %add3A_337 = vector.broadcast %add3A_336 : i32 to vector<16xi32>
          %add3A_338 = arith.addi %add3A_249, %add3A_337 : vector<16xi32>
          %and3A_339 = arith.constant 63 : i32
          %and3A_340 = vector.broadcast %and3A_339 : i32 to vector<16xi32>
          %and3A_341 = arith.andi %add3A_338, %and3A_340 : vector<16xi32>
          %gather3A_342 = tpu.vector_load_idx %arg10[%add3A_222, %and3A_341] : memref<64x64xi32, #tpu.memory_space<vmem>>[vector<16xi32>, vector<16xi32>], vector<16xi32>,
          %gather3A_343 = tpu.vector_load_idx %arg14[%add3A_222, %and3A_341] : memref<64x64xi32, #tpu.memory_space<vmem>>[vector<16xi32>, vector<16xi32>], vector<16xi32>,
          %bitcast3A_344 = vector.bitcast %gather3A_342 : vector<16xi32> to vector<32xbf16>
          %unpack3A_345 = tpu.unpack_subelements %bitcast3A_344, 0 {pack_format = #tpu.pack_format<interleaved>} : vector<32xbf16> -> vector<16xf32>
          %unpack3A_346 = tpu.unpack_subelements %bitcast3A_344, 1 {pack_format = #tpu.pack_format<interleaved>} : vector<32xbf16> -> vector<16xf32>
          %bitcast3A_347 = vector.bitcast %gather3A_343 : vector<16xi32> to vector<32xbf16>
          %unpack3A_348 = tpu.unpack_subelements %bitcast3A_347, 0 {pack_format = #tpu.pack_format<interleaved>} : vector<32xbf16> -> vector<16xf32>
          %unpack3A_349 = tpu.unpack_subelements %bitcast3A_347, 1 {pack_format = #tpu.pack_format<interleaved>} : vector<32xbf16> -> vector<16xf32>
          %mul3A_350 = arith.mulf %unpack3A_345, %unpack3A_348 : vector<16xf32>
          %add3A_351 = arith.addf %add3A_335, %mul3A_350 : vector<16xf32>
          %mul3A_352 = arith.mulf %unpack3A_346, %unpack3A_349 : vector<16xf32>
          %add3A_353 = arith.addf %add3A_351, %mul3A_352 : vector<16xf32>
          %add3A_354 = arith.constant 6 : i32
          %add3A_355 = vector.broadcast %add3A_354 : i32 to vector<16xi32>
          %add3A_356 = arith.addi %add3A_249, %add3A_355 : vector<16xi32>
          %and3A_357 = arith.constant 63 : i32
          %and3A_358 = vector.broadcast %and3A_357 : i32 to vector<16xi32>
          %and3A_359 = arith.andi %add3A_356, %and3A_358 : vector<16xi32>
          %gather3A_360 = tpu.vector_load_idx %arg10[%add3A_222, %and3A_359] : memref<64x64xi32, #tpu.memory_space<vmem>>[vector<16xi32>, vector<16xi32>], vector<16xi32>,
          %gather3A_361 = tpu.vector_load_idx %arg14[%add3A_222, %and3A_359] : memref<64x64xi32, #tpu.memory_space<vmem>>[vector<16xi32>, vector<16xi32>], vector<16xi32>,
          %bitcast3A_362 = vector.bitcast %gather3A_360 : vector<16xi32> to vector<32xbf16>
          %unpack3A_363 = tpu.unpack_subelements %bitcast3A_362, 0 {pack_format = #tpu.pack_format<interleaved>} : vector<32xbf16> -> vector<16xf32>
          %unpack3A_364 = tpu.unpack_subelements %bitcast3A_362, 1 {pack_format = #tpu.pack_format<interleaved>} : vector<32xbf16> -> vector<16xf32>
          %bitcast3A_365 = vector.bitcast %gather3A_361 : vector<16xi32> to vector<32xbf16>
          %unpack3A_366 = tpu.unpack_subelements %bitcast3A_365, 0 {pack_format = #tpu.pack_format<interleaved>} : vector<32xbf16> -> vector<16xf32>
          %unpack3A_367 = tpu.unpack_subelements %bitcast3A_365, 1 {pack_format = #tpu.pack_format<interleaved>} : vector<32xbf16> -> vector<16xf32>
          %mul3A_368 = arith.mulf %unpack3A_363, %unpack3A_366 : vector<16xf32>
          %add3A_369 = arith.addf %add3A_353, %mul3A_368 : vector<16xf32>
          %mul3A_370 = arith.mulf %unpack3A_364, %unpack3A_367 : vector<16xf32>
          %add3A_371 = arith.addf %add3A_369, %mul3A_370 : vector<16xf32>
          %add3A_372 = arith.constant 7 : i32
          %add3A_373 = vector.broadcast %add3A_372 : i32 to vector<16xi32>
          %add3A_374 = arith.addi %add3A_249, %add3A_373 : vector<16xi32>
          %and3A_375 = arith.constant 63 : i32
          %and3A_376 = vector.broadcast %and3A_375 : i32 to vector<16xi32>
          %and3A_377 = arith.andi %add3A_374, %and3A_376 : vector<16xi32>
          %gather3A_378 = tpu.vector_load_idx %arg10[%add3A_222, %and3A_377] : memref<64x64xi32, #tpu.memory_space<vmem>>[vector<16xi32>, vector<16xi32>], vector<16xi32>,
          %gather3A_379 = tpu.vector_load_idx %arg14[%add3A_222, %and3A_377] : memref<64x64xi32, #tpu.memory_space<vmem>>[vector<16xi32>, vector<16xi32>], vector<16xi32>,
          %bitcast3A_380 = vector.bitcast %gather3A_378 : vector<16xi32> to vector<32xbf16>
          %unpack3A_381 = tpu.unpack_subelements %bitcast3A_380, 0 {pack_format = #tpu.pack_format<interleaved>} : vector<32xbf16> -> vector<16xf32>
          %unpack3A_382 = tpu.unpack_subelements %bitcast3A_380, 1 {pack_format = #tpu.pack_format<interleaved>} : vector<32xbf16> -> vector<16xf32>
          %bitcast3A_383 = vector.bitcast %gather3A_379 : vector<16xi32> to vector<32xbf16>
          %unpack3A_384 = tpu.unpack_subelements %bitcast3A_383, 0 {pack_format = #tpu.pack_format<interleaved>} : vector<32xbf16> -> vector<16xf32>
          %unpack3A_385 = tpu.unpack_subelements %bitcast3A_383, 1 {pack_format = #tpu.pack_format<interleaved>} : vector<32xbf16> -> vector<16xf32>
          %mul3A_386 = arith.mulf %unpack3A_381, %unpack3A_384 : vector<16xf32>
          %add3A_387 = arith.addf %add3A_371, %mul3A_386 : vector<16xf32>
          %mul3A_388 = arith.mulf %unpack3A_382, %unpack3A_385 : vector<16xf32>
          %add3A_389 = arith.addf %add3A_387, %mul3A_388 : vector<16xf32>
          scf.yield %add3A_389 : vector<16xf32>
        }
        %scan3A_229 = arith.constant 8 : i32
        %neg3A = arith.constant 0.000000e+00 : f32
        %neg3A_230 = vector.broadcast %neg3A : f32 to vector<16xf32>
        %neg3A_231 = arith.subf %neg3A_230, %scan3A_228 : vector<16xf32>
        %exp3A = math.exp %neg3A_231 : vector<16xf32>
        %add3A_232 = arith.constant 1.000000e+00 : f32
        %add3A_233 = vector.broadcast %add3A_232 : f32 to vector<16xf32>
        %add3A_234 = arith.addf %add3A_233, %exp3A : vector<16xf32>
        %div3A = arith.constant 1.000000e+00 : f32
        %div3A_235 = vector.broadcast %div3A : f32 to vector<16xf32>
        %div3A_236 = arith.divf %div3A_235, %add3A_234 : vector<16xf32>
        %mul3A_237 = arith.constant 64 : i32
        %mul3A_238 = arith.muli %add3A_115, %mul3A_237 : i32
        %mul3A_239 = arith.constant 16 : i32
        %mul3A_240 = arith.muli %scan3A_217, %mul3A_239 : i32
        %add3A_241 = arith.addi %mul3A_238, %mul3A_240 : i32
        %swap3A = arith.index_cast %add3A_241 : i32 to index
        %swap3A_242 = tpu.vector_load %arg17[%swap3A] {strides = array<i32>} : memref<512xf32, #tpu.memory_space<vmem>>, vector<16xf32>,
        tpu.vector_store %arg17[%swap3A], %div3A_236 {strides = array<i32>} : memref<512xf32, #tpu.memory_space<vmem>>, vector<16xf32>,
        %scan3A_243 = arith.constant 0 : i32
        scf.yield %scan3A_243 : i32
      }
      %scan3A_140 = arith.constant 4 : i32
      %add3A_141 = arith.constant 4 : i32
      %add3A_142 = arith.addi %add3A_115, %add3A_141 : i32
      %lt3A_143 = arith.constant 8 : i32
      %lt3A_144 = arith.cmpi slt, %add3A_142, %lt3A_143 : i32
      %convert_element_type3A_145 = arith.extui %lt3A_144 : i1 to i32
      %cond3A_146 = arith.constant 0 : i32
      %cond3A_147 = arith.cmpi ne, %convert_element_type3A_145, %cond3A_146 : i32
      scf.if %cond3A_147 {
        %mul3A_217 = arith.constant 64 : i32
        %mul3A_218 = arith.muli %add3A_142, %mul3A_217 : i32
        %dma_start3A_219 = arith.constant 1 : i32
        %dma_start3A_220 = arith.constant 0 : i32
        %dma_start3A_221 = tpu.memref_slice %arg7[%mul3A_218] : memref<512xi32, #tpu.memory_space<vmem>> -> memref<64xi32, #tpu.memory_space<vmem>>
        %dma_start3A_222 = arith.constant 0 : i32
        %dma_start3A_223 = arith.constant 0 : i32
        %dma_start3A_224 = tpu.memref_slice %arg4[%dma_start3A_222, %dma_start3A_223] : memref<1000x64xi32, #tpu.memory_space<hbm>> -> memref<1000x64xi32, #tpu.memory_space<hbm>>
        %dma_start3A_225 = tpu.memref_slice %arg18[%dma_start3A_219, %dma_start3A_220] : memref<4x2x!tpu.dma_semaphore, #tpu.memory_space<semaphore_mem>> -> memref<1x1x!tpu.dma_semaphore, #tpu.memory_space<semaphore_mem>>
        %dma_start3A_226 = tpu.memref_squeeze %dma_start3A_225 : memref<1x1x!tpu.dma_semaphore, #tpu.memory_space<semaphore_mem>> -> memref<!tpu.dma_semaphore, #tpu.memory_space<semaphore_mem>>
        tpu.enqueue_indirect_dma source(%dma_start3A_224 : memref<1000x64xi32, #tpu.memory_space<hbm>>) target(%arg10 : memref<64x64xi32, #tpu.memory_space<vmem>>) offsets(%dma_start3A_221 : memref<64xi32, #tpu.memory_space<vmem>>) semaphore(%dma_start3A_226 : memref<!tpu.dma_semaphore, #tpu.memory_space<semaphore_mem>>)
        %mul3A_227 = arith.constant 64 : i32
        %mul3A_228 = arith.muli %add3A_142, %mul3A_227 : i32
        %dma_start3A_229 = arith.constant 1 : i32
        %dma_start3A_230 = arith.constant 1 : i32
        %dma_start3A_231 = tpu.memref_slice %arg8[%mul3A_228] : memref<512xi32, #tpu.memory_space<vmem>> -> memref<64xi32, #tpu.memory_space<vmem>>
        %dma_start3A_232 = arith.constant 0 : i32
        %dma_start3A_233 = arith.constant 0 : i32
        %dma_start3A_234 = tpu.memref_slice %arg5[%dma_start3A_232, %dma_start3A_233] : memref<1000x64xi32, #tpu.memory_space<hbm>> -> memref<1000x64xi32, #tpu.memory_space<hbm>>
        %dma_start3A_235 = tpu.memref_slice %arg18[%dma_start3A_229, %dma_start3A_230] : memref<4x2x!tpu.dma_semaphore, #tpu.memory_space<semaphore_mem>> -> memref<1x1x!tpu.dma_semaphore, #tpu.memory_space<semaphore_mem>>
        %dma_start3A_236 = tpu.memref_squeeze %dma_start3A_235 : memref<1x1x!tpu.dma_semaphore, #tpu.memory_space<semaphore_mem>> -> memref<!tpu.dma_semaphore, #tpu.memory_space<semaphore_mem>>
        tpu.enqueue_indirect_dma source(%dma_start3A_234 : memref<1000x64xi32, #tpu.memory_space<hbm>>) target(%arg14 : memref<64x64xi32, #tpu.memory_space<vmem>>) offsets(%dma_start3A_231 : memref<64xi32, #tpu.memory_space<vmem>>) semaphore(%dma_start3A_236 : memref<!tpu.dma_semaphore, #tpu.memory_space<semaphore_mem>>)
      } else {
      }
      %add3A_148 = arith.constant 2 : i32
      %add3A_149 = arith.addi %mul3A_83, %add3A_148 : i32
      %dma_wait3A_150 = arith.constant 2 : i32
      %dma_wait3A_151 = arith.constant 0 : i32
      %dma_wait3A_152 = arith.constant 0 : i32
      %dma_wait3A_153 = tpu.memref_slice %arg7[%dma_wait3A_152] : memref<512xi32, #tpu.memory_space<vmem>> -> memref<64xi32, #tpu.memory_space<vmem>>
      %dma_wait3A_154 = arith.constant 0 : i32
      %dma_wait3A_155 = arith.constant 0 : i32
      %dma_wait3A_156 = tpu.memref_slice %arg4[%dma_wait3A_154, %dma_wait3A_155] : memref<1000x64xi32, #tpu.memory_space<hbm>> -> memref<1000x64xi32, #tpu.memory_space<hbm>>
      %dma_wait3A_157 = tpu.memref_slice %arg18[%dma_wait3A_150, %dma_wait3A_151] : memref<4x2x!tpu.dma_semaphore, #tpu.memory_space<semaphore_mem>> -> memref<1x1x!tpu.dma_semaphore, #tpu.memory_space<semaphore_mem>>
      %dma_wait3A_158 = tpu.memref_squeeze %dma_wait3A_157 : memref<1x1x!tpu.dma_semaphore, #tpu.memory_space<semaphore_mem>> -> memref<!tpu.dma_semaphore, #tpu.memory_space<semaphore_mem>>
      tpu.wait_indirect_dma semaphore(%dma_wait3A_158 : memref<!tpu.dma_semaphore, #tpu.memory_space<semaphore_mem>>) src(%dma_wait3A_156 : memref<1000x64xi32, #tpu.memory_space<hbm>>) dst(%arg11 : memref<64x64xi32, #tpu.memory_space<vmem>>)
      %dma_wait3A_159 = arith.constant 2 : i32
      %dma_wait3A_160 = arith.constant 1 : i32
      %dma_wait3A_161 = arith.constant 0 : i32
      %dma_wait3A_162 = tpu.memref_slice %arg8[%dma_wait3A_161] : memref<512xi32, #tpu.memory_space<vmem>> -> memref<64xi32, #tpu.memory_space<vmem>>
      %dma_wait3A_163 = arith.constant 0 : i32
      %dma_wait3A_164 = arith.constant 0 : i32
      %dma_wait3A_165 = tpu.memref_slice %arg5[%dma_wait3A_163, %dma_wait3A_164] : memref<1000x64xi32, #tpu.memory_space<hbm>> -> memref<1000x64xi32, #tpu.memory_space<hbm>>
      %dma_wait3A_166 = tpu.memref_slice %arg18[%dma_wait3A_159, %dma_wait3A_160] : memref<4x2x!tpu.dma_semaphore, #tpu.memory_space<semaphore_mem>> -> memref<1x1x!tpu.dma_semaphore, #tpu.memory_space<semaphore_mem>>
      %dma_wait3A_167 = tpu.memref_squeeze %dma_wait3A_166 : memref<1x1x!tpu.dma_semaphore, #tpu.memory_space<semaphore_mem>> -> memref<!tpu.dma_semaphore, #tpu.memory_space<semaphore_mem>>
      tpu.wait_indirect_dma semaphore(%dma_wait3A_167 : memref<!tpu.dma_semaphore, #tpu.memory_space<semaphore_mem>>) src(%dma_wait3A_165 : memref<1000x64xi32, #tpu.memory_space<hbm>>) dst(%arg15 : memref<64x64xi32, #tpu.memory_space<vmem>>)
      %scan3A_168 = arith.constant 0 : i32
      %scan3A_169 = arith.constant 0 : i32
      %scan3A_170 = arith.constant 4 : i32
      %scan3A_171 = arith.addi %scan3A_169, %scan3A_170 : i32
      %scan3A_172 = arith.constant 1 : i32
      %scan3A_173 = scf.for %scan3A_217 = %scan3A_169 to %scan3A_171 step %scan3A_172 iter_args(%scan3A_218 = %scan3A_168) -> (i32)  : i32 {
        %mul3A_219 = arith.constant 16 : i32
        %mul3A_220 = arith.muli %scan3A_217, %mul3A_219 : i32
        %add3A_221 = vector.broadcast %mul3A_220 : i32 to vector<16xi32>
        %add3A_222 = arith.addi %iota3A, %add3A_221 : vector<16xi32>
        %broadcast_in_dim3A = arith.constant 0.000000e+00 : f32
        %broadcast_in_dim3A_223 = vector.broadcast %broadcast_in_dim3A : f32 to vector<16xf32>
        %scan3A_224 = arith.constant 0 : i32
        %scan3A_225 = arith.constant 8 : i32
        %scan3A_226 = arith.addi %scan3A_224, %scan3A_225 : i32
        %scan3A_227 = arith.constant 1 : i32
        %scan3A_228 = scf.for %scan3A_244 = %scan3A_224 to %scan3A_226 step %scan3A_227 iter_args(%scan3A_245 = %broadcast_in_dim3A_223) -> (vector<16xf32>)  : i32 {
          %mul3A_246 = arith.constant 8 : i32
          %mul3A_247 = arith.muli %scan3A_244, %mul3A_246 : i32
          %add3A_248 = vector.broadcast %mul3A_247 : i32 to vector<16xi32>
          %add3A_249 = arith.addi %iota3A, %add3A_248 : vector<16xi32>
          %add3A_250 = arith.constant 0 : i32
          %add3A_251 = vector.broadcast %add3A_250 : i32 to vector<16xi32>
          %add3A_252 = arith.addi %add3A_249, %add3A_251 : vector<16xi32>
          %and3A = arith.constant 63 : i32
          %and3A_253 = vector.broadcast %and3A : i32 to vector<16xi32>
          %and3A_254 = arith.andi %add3A_252, %and3A_253 : vector<16xi32>
          %gather3A = tpu.vector_load_idx %arg11[%add3A_222, %and3A_254] : memref<64x64xi32, #tpu.memory_space<vmem>>[vector<16xi32>, vector<16xi32>], vector<16xi32>,
          %gather3A_255 = tpu.vector_load_idx %arg15[%add3A_222, %and3A_254] : memref<64x64xi32, #tpu.memory_space<vmem>>[vector<16xi32>, vector<16xi32>], vector<16xi32>,
          %bitcast3A = vector.bitcast %gather3A : vector<16xi32> to vector<32xbf16>
          %unpack3A = tpu.unpack_subelements %bitcast3A, 0 {pack_format = #tpu.pack_format<interleaved>} : vector<32xbf16> -> vector<16xf32>
          %unpack3A_256 = tpu.unpack_subelements %bitcast3A, 1 {pack_format = #tpu.pack_format<interleaved>} : vector<32xbf16> -> vector<16xf32>
          %bitcast3A_257 = vector.bitcast %gather3A_255 : vector<16xi32> to vector<32xbf16>
          %unpack3A_258 = tpu.unpack_subelements %bitcast3A_257, 0 {pack_format = #tpu.pack_format<interleaved>} : vector<32xbf16> -> vector<16xf32>
          %unpack3A_259 = tpu.unpack_subelements %bitcast3A_257, 1 {pack_format = #tpu.pack_format<interleaved>} : vector<32xbf16> -> vector<16xf32>
          %mul3A_260 = arith.mulf %unpack3A, %unpack3A_258 : vector<16xf32>
          %add3A_261 = arith.addf %scan3A_245, %mul3A_260 : vector<16xf32>
          %mul3A_262 = arith.mulf %unpack3A_256, %unpack3A_259 : vector<16xf32>
          %add3A_263 = arith.addf %add3A_261, %mul3A_262 : vector<16xf32>
          %add3A_264 = arith.constant 1 : i32
          %add3A_265 = vector.broadcast %add3A_264 : i32 to vector<16xi32>
          %add3A_266 = arith.addi %add3A_249, %add3A_265 : vector<16xi32>
          %and3A_267 = arith.constant 63 : i32
          %and3A_268 = vector.broadcast %and3A_267 : i32 to vector<16xi32>
          %and3A_269 = arith.andi %add3A_266, %and3A_268 : vector<16xi32>
          %gather3A_270 = tpu.vector_load_idx %arg11[%add3A_222, %and3A_269] : memref<64x64xi32, #tpu.memory_space<vmem>>[vector<16xi32>, vector<16xi32>], vector<16xi32>,
          %gather3A_271 = tpu.vector_load_idx %arg15[%add3A_222, %and3A_269] : memref<64x64xi32, #tpu.memory_space<vmem>>[vector<16xi32>, vector<16xi32>], vector<16xi32>,
          %bitcast3A_272 = vector.bitcast %gather3A_270 : vector<16xi32> to vector<32xbf16>
          %unpack3A_273 = tpu.unpack_subelements %bitcast3A_272, 0 {pack_format = #tpu.pack_format<interleaved>} : vector<32xbf16> -> vector<16xf32>
          %unpack3A_274 = tpu.unpack_subelements %bitcast3A_272, 1 {pack_format = #tpu.pack_format<interleaved>} : vector<32xbf16> -> vector<16xf32>
          %bitcast3A_275 = vector.bitcast %gather3A_271 : vector<16xi32> to vector<32xbf16>
          %unpack3A_276 = tpu.unpack_subelements %bitcast3A_275, 0 {pack_format = #tpu.pack_format<interleaved>} : vector<32xbf16> -> vector<16xf32>
          %unpack3A_277 = tpu.unpack_subelements %bitcast3A_275, 1 {pack_format = #tpu.pack_format<interleaved>} : vector<32xbf16> -> vector<16xf32>
          %mul3A_278 = arith.mulf %unpack3A_273, %unpack3A_276 : vector<16xf32>
          %add3A_279 = arith.addf %add3A_263, %mul3A_278 : vector<16xf32>
          %mul3A_280 = arith.mulf %unpack3A_274, %unpack3A_277 : vector<16xf32>
          %add3A_281 = arith.addf %add3A_279, %mul3A_280 : vector<16xf32>
          %add3A_282 = arith.constant 2 : i32
          %add3A_283 = vector.broadcast %add3A_282 : i32 to vector<16xi32>
          %add3A_284 = arith.addi %add3A_249, %add3A_283 : vector<16xi32>
          %and3A_285 = arith.constant 63 : i32
          %and3A_286 = vector.broadcast %and3A_285 : i32 to vector<16xi32>
          %and3A_287 = arith.andi %add3A_284, %and3A_286 : vector<16xi32>
          %gather3A_288 = tpu.vector_load_idx %arg11[%add3A_222, %and3A_287] : memref<64x64xi32, #tpu.memory_space<vmem>>[vector<16xi32>, vector<16xi32>], vector<16xi32>,
          %gather3A_289 = tpu.vector_load_idx %arg15[%add3A_222, %and3A_287] : memref<64x64xi32, #tpu.memory_space<vmem>>[vector<16xi32>, vector<16xi32>], vector<16xi32>,
          %bitcast3A_290 = vector.bitcast %gather3A_288 : vector<16xi32> to vector<32xbf16>
          %unpack3A_291 = tpu.unpack_subelements %bitcast3A_290, 0 {pack_format = #tpu.pack_format<interleaved>} : vector<32xbf16> -> vector<16xf32>
          %unpack3A_292 = tpu.unpack_subelements %bitcast3A_290, 1 {pack_format = #tpu.pack_format<interleaved>} : vector<32xbf16> -> vector<16xf32>
          %bitcast3A_293 = vector.bitcast %gather3A_289 : vector<16xi32> to vector<32xbf16>
          %unpack3A_294 = tpu.unpack_subelements %bitcast3A_293, 0 {pack_format = #tpu.pack_format<interleaved>} : vector<32xbf16> -> vector<16xf32>
          %unpack3A_295 = tpu.unpack_subelements %bitcast3A_293, 1 {pack_format = #tpu.pack_format<interleaved>} : vector<32xbf16> -> vector<16xf32>
          %mul3A_296 = arith.mulf %unpack3A_291, %unpack3A_294 : vector<16xf32>
          %add3A_297 = arith.addf %add3A_281, %mul3A_296 : vector<16xf32>
          %mul3A_298 = arith.mulf %unpack3A_292, %unpack3A_295 : vector<16xf32>
          %add3A_299 = arith.addf %add3A_297, %mul3A_298 : vector<16xf32>
          %add3A_300 = arith.constant 3 : i32
          %add3A_301 = vector.broadcast %add3A_300 : i32 to vector<16xi32>
          %add3A_302 = arith.addi %add3A_249, %add3A_301 : vector<16xi32>
          %and3A_303 = arith.constant 63 : i32
          %and3A_304 = vector.broadcast %and3A_303 : i32 to vector<16xi32>
          %and3A_305 = arith.andi %add3A_302, %and3A_304 : vector<16xi32>
          %gather3A_306 = tpu.vector_load_idx %arg11[%add3A_222, %and3A_305] : memref<64x64xi32, #tpu.memory_space<vmem>>[vector<16xi32>, vector<16xi32>], vector<16xi32>,
          %gather3A_307 = tpu.vector_load_idx %arg15[%add3A_222, %and3A_305] : memref<64x64xi32, #tpu.memory_space<vmem>>[vector<16xi32>, vector<16xi32>], vector<16xi32>,
          %bitcast3A_308 = vector.bitcast %gather3A_306 : vector<16xi32> to vector<32xbf16>
          %unpack3A_309 = tpu.unpack_subelements %bitcast3A_308, 0 {pack_format = #tpu.pack_format<interleaved>} : vector<32xbf16> -> vector<16xf32>
          %unpack3A_310 = tpu.unpack_subelements %bitcast3A_308, 1 {pack_format = #tpu.pack_format<interleaved>} : vector<32xbf16> -> vector<16xf32>
          %bitcast3A_311 = vector.bitcast %gather3A_307 : vector<16xi32> to vector<32xbf16>
          %unpack3A_312 = tpu.unpack_subelements %bitcast3A_311, 0 {pack_format = #tpu.pack_format<interleaved>} : vector<32xbf16> -> vector<16xf32>
          %unpack3A_313 = tpu.unpack_subelements %bitcast3A_311, 1 {pack_format = #tpu.pack_format<interleaved>} : vector<32xbf16> -> vector<16xf32>
          %mul3A_314 = arith.mulf %unpack3A_309, %unpack3A_312 : vector<16xf32>
          %add3A_315 = arith.addf %add3A_299, %mul3A_314 : vector<16xf32>
          %mul3A_316 = arith.mulf %unpack3A_310, %unpack3A_313 : vector<16xf32>
          %add3A_317 = arith.addf %add3A_315, %mul3A_316 : vector<16xf32>
          %add3A_318 = arith.constant 4 : i32
          %add3A_319 = vector.broadcast %add3A_318 : i32 to vector<16xi32>
          %add3A_320 = arith.addi %add3A_249, %add3A_319 : vector<16xi32>
          %and3A_321 = arith.constant 63 : i32
          %and3A_322 = vector.broadcast %and3A_321 : i32 to vector<16xi32>
          %and3A_323 = arith.andi %add3A_320, %and3A_322 : vector<16xi32>
          %gather3A_324 = tpu.vector_load_idx %arg11[%add3A_222, %and3A_323] : memref<64x64xi32, #tpu.memory_space<vmem>>[vector<16xi32>, vector<16xi32>], vector<16xi32>,
          %gather3A_325 = tpu.vector_load_idx %arg15[%add3A_222, %and3A_323] : memref<64x64xi32, #tpu.memory_space<vmem>>[vector<16xi32>, vector<16xi32>], vector<16xi32>,
          %bitcast3A_326 = vector.bitcast %gather3A_324 : vector<16xi32> to vector<32xbf16>
          %unpack3A_327 = tpu.unpack_subelements %bitcast3A_326, 0 {pack_format = #tpu.pack_format<interleaved>} : vector<32xbf16> -> vector<16xf32>
          %unpack3A_328 = tpu.unpack_subelements %bitcast3A_326, 1 {pack_format = #tpu.pack_format<interleaved>} : vector<32xbf16> -> vector<16xf32>
          %bitcast3A_329 = vector.bitcast %gather3A_325 : vector<16xi32> to vector<32xbf16>
          %unpack3A_330 = tpu.unpack_subelements %bitcast3A_329, 0 {pack_format = #tpu.pack_format<interleaved>} : vector<32xbf16> -> vector<16xf32>
          %unpack3A_331 = tpu.unpack_subelements %bitcast3A_329, 1 {pack_format = #tpu.pack_format<interleaved>} : vector<32xbf16> -> vector<16xf32>
          %mul3A_332 = arith.mulf %unpack3A_327, %unpack3A_330 : vector<16xf32>
          %add3A_333 = arith.addf %add3A_317, %mul3A_332 : vector<16xf32>
          %mul3A_334 = arith.mulf %unpack3A_328, %unpack3A_331 : vector<16xf32>
          %add3A_335 = arith.addf %add3A_333, %mul3A_334 : vector<16xf32>
          %add3A_336 = arith.constant 5 : i32
          %add3A_337 = vector.broadcast %add3A_336 : i32 to vector<16xi32>
          %add3A_338 = arith.addi %add3A_249, %add3A_337 : vector<16xi32>
          %and3A_339 = arith.constant 63 : i32
          %and3A_340 = vector.broadcast %and3A_339 : i32 to vector<16xi32>
          %and3A_341 = arith.andi %add3A_338, %and3A_340 : vector<16xi32>
          %gather3A_342 = tpu.vector_load_idx %arg11[%add3A_222, %and3A_341] : memref<64x64xi32, #tpu.memory_space<vmem>>[vector<16xi32>, vector<16xi32>], vector<16xi32>,
          %gather3A_343 = tpu.vector_load_idx %arg15[%add3A_222, %and3A_341] : memref<64x64xi32, #tpu.memory_space<vmem>>[vector<16xi32>, vector<16xi32>], vector<16xi32>,
          %bitcast3A_344 = vector.bitcast %gather3A_342 : vector<16xi32> to vector<32xbf16>
          %unpack3A_345 = tpu.unpack_subelements %bitcast3A_344, 0 {pack_format = #tpu.pack_format<interleaved>} : vector<32xbf16> -> vector<16xf32>
          %unpack3A_346 = tpu.unpack_subelements %bitcast3A_344, 1 {pack_format = #tpu.pack_format<interleaved>} : vector<32xbf16> -> vector<16xf32>
          %bitcast3A_347 = vector.bitcast %gather3A_343 : vector<16xi32> to vector<32xbf16>
          %unpack3A_348 = tpu.unpack_subelements %bitcast3A_347, 0 {pack_format = #tpu.pack_format<interleaved>} : vector<32xbf16> -> vector<16xf32>
          %unpack3A_349 = tpu.unpack_subelements %bitcast3A_347, 1 {pack_format = #tpu.pack_format<interleaved>} : vector<32xbf16> -> vector<16xf32>
          %mul3A_350 = arith.mulf %unpack3A_345, %unpack3A_348 : vector<16xf32>
          %add3A_351 = arith.addf %add3A_335, %mul3A_350 : vector<16xf32>
          %mul3A_352 = arith.mulf %unpack3A_346, %unpack3A_349 : vector<16xf32>
          %add3A_353 = arith.addf %add3A_351, %mul3A_352 : vector<16xf32>
          %add3A_354 = arith.constant 6 : i32
          %add3A_355 = vector.broadcast %add3A_354 : i32 to vector<16xi32>
          %add3A_356 = arith.addi %add3A_249, %add3A_355 : vector<16xi32>
          %and3A_357 = arith.constant 63 : i32
          %and3A_358 = vector.broadcast %and3A_357 : i32 to vector<16xi32>
          %and3A_359 = arith.andi %add3A_356, %and3A_358 : vector<16xi32>
          %gather3A_360 = tpu.vector_load_idx %arg11[%add3A_222, %and3A_359] : memref<64x64xi32, #tpu.memory_space<vmem>>[vector<16xi32>, vector<16xi32>], vector<16xi32>,
          %gather3A_361 = tpu.vector_load_idx %arg15[%add3A_222, %and3A_359] : memref<64x64xi32, #tpu.memory_space<vmem>>[vector<16xi32>, vector<16xi32>], vector<16xi32>,
          %bitcast3A_362 = vector.bitcast %gather3A_360 : vector<16xi32> to vector<32xbf16>
          %unpack3A_363 = tpu.unpack_subelements %bitcast3A_362, 0 {pack_format = #tpu.pack_format<interleaved>} : vector<32xbf16> -> vector<16xf32>
          %unpack3A_364 = tpu.unpack_subelements %bitcast3A_362, 1 {pack_format = #tpu.pack_format<interleaved>} : vector<32xbf16> -> vector<16xf32>
          %bitcast3A_365 = vector.bitcast %gather3A_361 : vector<16xi32> to vector<32xbf16>
          %unpack3A_366 = tpu.unpack_subelements %bitcast3A_365, 0 {pack_format = #tpu.pack_format<interleaved>} : vector<32xbf16> -> vector<16xf32>
          %unpack3A_367 = tpu.unpack_subelements %bitcast3A_365, 1 {pack_format = #tpu.pack_format<interleaved>} : vector<32xbf16> -> vector<16xf32>
          %mul3A_368 = arith.mulf %unpack3A_363, %unpack3A_366 : vector<16xf32>
          %add3A_369 = arith.addf %add3A_353, %mul3A_368 : vector<16xf32>
          %mul3A_370 = arith.mulf %unpack3A_364, %unpack3A_367 : vector<16xf32>
          %add3A_371 = arith.addf %add3A_369, %mul3A_370 : vector<16xf32>
          %add3A_372 = arith.constant 7 : i32
          %add3A_373 = vector.broadcast %add3A_372 : i32 to vector<16xi32>
          %add3A_374 = arith.addi %add3A_249, %add3A_373 : vector<16xi32>
          %and3A_375 = arith.constant 63 : i32
          %and3A_376 = vector.broadcast %and3A_375 : i32 to vector<16xi32>
          %and3A_377 = arith.andi %add3A_374, %and3A_376 : vector<16xi32>
          %gather3A_378 = tpu.vector_load_idx %arg11[%add3A_222, %and3A_377] : memref<64x64xi32, #tpu.memory_space<vmem>>[vector<16xi32>, vector<16xi32>], vector<16xi32>,
          %gather3A_379 = tpu.vector_load_idx %arg15[%add3A_222, %and3A_377] : memref<64x64xi32, #tpu.memory_space<vmem>>[vector<16xi32>, vector<16xi32>], vector<16xi32>,
          %bitcast3A_380 = vector.bitcast %gather3A_378 : vector<16xi32> to vector<32xbf16>
          %unpack3A_381 = tpu.unpack_subelements %bitcast3A_380, 0 {pack_format = #tpu.pack_format<interleaved>} : vector<32xbf16> -> vector<16xf32>
          %unpack3A_382 = tpu.unpack_subelements %bitcast3A_380, 1 {pack_format = #tpu.pack_format<interleaved>} : vector<32xbf16> -> vector<16xf32>
          %bitcast3A_383 = vector.bitcast %gather3A_379 : vector<16xi32> to vector<32xbf16>
          %unpack3A_384 = tpu.unpack_subelements %bitcast3A_383, 0 {pack_format = #tpu.pack_format<interleaved>} : vector<32xbf16> -> vector<16xf32>
          %unpack3A_385 = tpu.unpack_subelements %bitcast3A_383, 1 {pack_format = #tpu.pack_format<interleaved>} : vector<32xbf16> -> vector<16xf32>
          %mul3A_386 = arith.mulf %unpack3A_381, %unpack3A_384 : vector<16xf32>
          %add3A_387 = arith.addf %add3A_371, %mul3A_386 : vector<16xf32>
          %mul3A_388 = arith.mulf %unpack3A_382, %unpack3A_385 : vector<16xf32>
          %add3A_389 = arith.addf %add3A_387, %mul3A_388 : vector<16xf32>
          scf.yield %add3A_389 : vector<16xf32>
        }
        %scan3A_229 = arith.constant 8 : i32
        %neg3A = arith.constant 0.000000e+00 : f32
        %neg3A_230 = vector.broadcast %neg3A : f32 to vector<16xf32>
        %neg3A_231 = arith.subf %neg3A_230, %scan3A_228 : vector<16xf32>
        %exp3A = math.exp %neg3A_231 : vector<16xf32>
        %add3A_232 = arith.constant 1.000000e+00 : f32
        %add3A_233 = vector.broadcast %add3A_232 : f32 to vector<16xf32>
        %add3A_234 = arith.addf %add3A_233, %exp3A : vector<16xf32>
        %div3A = arith.constant 1.000000e+00 : f32
        %div3A_235 = vector.broadcast %div3A : f32 to vector<16xf32>
        %div3A_236 = arith.divf %div3A_235, %add3A_234 : vector<16xf32>
        %mul3A_237 = arith.constant 64 : i32
        %mul3A_238 = arith.muli %add3A_149, %mul3A_237 : i32
        %mul3A_239 = arith.constant 16 : i32
        %mul3A_240 = arith.muli %scan3A_217, %mul3A_239 : i32
        %add3A_241 = arith.addi %mul3A_238, %mul3A_240 : i32
        %swap3A = arith.index_cast %add3A_241 : i32 to index
        %swap3A_242 = tpu.vector_load %arg17[%swap3A] {strides = array<i32>} : memref<512xf32, #tpu.memory_space<vmem>>, vector<16xf32>,
        tpu.vector_store %arg17[%swap3A], %div3A_236 {strides = array<i32>} : memref<512xf32, #tpu.memory_space<vmem>>, vector<16xf32>,
        %scan3A_243 = arith.constant 0 : i32
        scf.yield %scan3A_243 : i32
      }
      %scan3A_174 = arith.constant 4 : i32
      %add3A_175 = arith.constant 4 : i32
      %add3A_176 = arith.addi %add3A_149, %add3A_175 : i32
      %lt3A_177 = arith.constant 8 : i32
      %lt3A_178 = arith.cmpi slt, %add3A_176, %lt3A_177 : i32
      %convert_element_type3A_179 = arith.extui %lt3A_178 : i1 to i32
      %cond3A_180 = arith.constant 0 : i32
      %cond3A_181 = arith.cmpi ne, %convert_element_type3A_179, %cond3A_180 : i32
      scf.if %cond3A_181 {
        %mul3A_217 = arith.constant 64 : i32
        %mul3A_218 = arith.muli %add3A_176, %mul3A_217 : i32
        %dma_start3A_219 = arith.constant 2 : i32
        %dma_start3A_220 = arith.constant 0 : i32
        %dma_start3A_221 = tpu.memref_slice %arg7[%mul3A_218] : memref<512xi32, #tpu.memory_space<vmem>> -> memref<64xi32, #tpu.memory_space<vmem>>
        %dma_start3A_222 = arith.constant 0 : i32
        %dma_start3A_223 = arith.constant 0 : i32
        %dma_start3A_224 = tpu.memref_slice %arg4[%dma_start3A_222, %dma_start3A_223] : memref<1000x64xi32, #tpu.memory_space<hbm>> -> memref<1000x64xi32, #tpu.memory_space<hbm>>
        %dma_start3A_225 = tpu.memref_slice %arg18[%dma_start3A_219, %dma_start3A_220] : memref<4x2x!tpu.dma_semaphore, #tpu.memory_space<semaphore_mem>> -> memref<1x1x!tpu.dma_semaphore, #tpu.memory_space<semaphore_mem>>
        %dma_start3A_226 = tpu.memref_squeeze %dma_start3A_225 : memref<1x1x!tpu.dma_semaphore, #tpu.memory_space<semaphore_mem>> -> memref<!tpu.dma_semaphore, #tpu.memory_space<semaphore_mem>>
        tpu.enqueue_indirect_dma source(%dma_start3A_224 : memref<1000x64xi32, #tpu.memory_space<hbm>>) target(%arg11 : memref<64x64xi32, #tpu.memory_space<vmem>>) offsets(%dma_start3A_221 : memref<64xi32, #tpu.memory_space<vmem>>) semaphore(%dma_start3A_226 : memref<!tpu.dma_semaphore, #tpu.memory_space<semaphore_mem>>)
        %mul3A_227 = arith.constant 64 : i32
        %mul3A_228 = arith.muli %add3A_176, %mul3A_227 : i32
        %dma_start3A_229 = arith.constant 2 : i32
        %dma_start3A_230 = arith.constant 1 : i32
        %dma_start3A_231 = tpu.memref_slice %arg8[%mul3A_228] : memref<512xi32, #tpu.memory_space<vmem>> -> memref<64xi32, #tpu.memory_space<vmem>>
        %dma_start3A_232 = arith.constant 0 : i32
        %dma_start3A_233 = arith.constant 0 : i32
        %dma_start3A_234 = tpu.memref_slice %arg5[%dma_start3A_232, %dma_start3A_233] : memref<1000x64xi32, #tpu.memory_space<hbm>> -> memref<1000x64xi32, #tpu.memory_space<hbm>>
        %dma_start3A_235 = tpu.memref_slice %arg18[%dma_start3A_229, %dma_start3A_230] : memref<4x2x!tpu.dma_semaphore, #tpu.memory_space<semaphore_mem>> -> memref<1x1x!tpu.dma_semaphore, #tpu.memory_space<semaphore_mem>>
        %dma_start3A_236 = tpu.memref_squeeze %dma_start3A_235 : memref<1x1x!tpu.dma_semaphore, #tpu.memory_space<semaphore_mem>> -> memref<!tpu.dma_semaphore, #tpu.memory_space<semaphore_mem>>
        tpu.enqueue_indirect_dma source(%dma_start3A_234 : memref<1000x64xi32, #tpu.memory_space<hbm>>) target(%arg15 : memref<64x64xi32, #tpu.memory_space<vmem>>) offsets(%dma_start3A_231 : memref<64xi32, #tpu.memory_space<vmem>>) semaphore(%dma_start3A_236 : memref<!tpu.dma_semaphore, #tpu.memory_space<semaphore_mem>>)
      } else {
      }
      %add3A_182 = arith.constant 3 : i32
      %add3A_183 = arith.addi %mul3A_83, %add3A_182 : i32
      %dma_wait3A_184 = arith.constant 3 : i32
      %dma_wait3A_185 = arith.constant 0 : i32
      %dma_wait3A_186 = arith.constant 0 : i32
      %dma_wait3A_187 = tpu.memref_slice %arg7[%dma_wait3A_186] : memref<512xi32, #tpu.memory_space<vmem>> -> memref<64xi32, #tpu.memory_space<vmem>>
      %dma_wait3A_188 = arith.constant 0 : i32
      %dma_wait3A_189 = arith.constant 0 : i32
      %dma_wait3A_190 = tpu.memref_slice %arg4[%dma_wait3A_188, %dma_wait3A_189] : memref<1000x64xi32, #tpu.memory_space<hbm>> -> memref<1000x64xi32, #tpu.memory_space<hbm>>
      %dma_wait3A_191 = tpu.memref_slice %arg18[%dma_wait3A_184, %dma_wait3A_185] : memref<4x2x!tpu.dma_semaphore, #tpu.memory_space<semaphore_mem>> -> memref<1x1x!tpu.dma_semaphore, #tpu.memory_space<semaphore_mem>>
      %dma_wait3A_192 = tpu.memref_squeeze %dma_wait3A_191 : memref<1x1x!tpu.dma_semaphore, #tpu.memory_space<semaphore_mem>> -> memref<!tpu.dma_semaphore, #tpu.memory_space<semaphore_mem>>
      tpu.wait_indirect_dma semaphore(%dma_wait3A_192 : memref<!tpu.dma_semaphore, #tpu.memory_space<semaphore_mem>>) src(%dma_wait3A_190 : memref<1000x64xi32, #tpu.memory_space<hbm>>) dst(%arg12 : memref<64x64xi32, #tpu.memory_space<vmem>>)
      %dma_wait3A_193 = arith.constant 3 : i32
      %dma_wait3A_194 = arith.constant 1 : i32
      %dma_wait3A_195 = arith.constant 0 : i32
      %dma_wait3A_196 = tpu.memref_slice %arg8[%dma_wait3A_195] : memref<512xi32, #tpu.memory_space<vmem>> -> memref<64xi32, #tpu.memory_space<vmem>>
      %dma_wait3A_197 = arith.constant 0 : i32
      %dma_wait3A_198 = arith.constant 0 : i32
      %dma_wait3A_199 = tpu.memref_slice %arg5[%dma_wait3A_197, %dma_wait3A_198] : memref<1000x64xi32, #tpu.memory_space<hbm>> -> memref<1000x64xi32, #tpu.memory_space<hbm>>
      %dma_wait3A_200 = tpu.memref_slice %arg18[%dma_wait3A_193, %dma_wait3A_194] : memref<4x2x!tpu.dma_semaphore, #tpu.memory_space<semaphore_mem>> -> memref<1x1x!tpu.dma_semaphore, #tpu.memory_space<semaphore_mem>>
      %dma_wait3A_201 = tpu.memref_squeeze %dma_wait3A_200 : memref<1x1x!tpu.dma_semaphore, #tpu.memory_space<semaphore_mem>> -> memref<!tpu.dma_semaphore, #tpu.memory_space<semaphore_mem>>
      tpu.wait_indirect_dma semaphore(%dma_wait3A_201 : memref<!tpu.dma_semaphore, #tpu.memory_space<semaphore_mem>>) src(%dma_wait3A_199 : memref<1000x64xi32, #tpu.memory_space<hbm>>) dst(%arg16 : memref<64x64xi32, #tpu.memory_space<vmem>>)
      %scan3A_202 = arith.constant 0 : i32
      %scan3A_203 = arith.constant 0 : i32
      %scan3A_204 = arith.constant 4 : i32
      %scan3A_205 = arith.addi %scan3A_203, %scan3A_204 : i32
      %scan3A_206 = arith.constant 1 : i32
      %scan3A_207 = scf.for %scan3A_217 = %scan3A_203 to %scan3A_205 step %scan3A_206 iter_args(%scan3A_218 = %scan3A_202) -> (i32)  : i32 {
        %mul3A_219 = arith.constant 16 : i32
        %mul3A_220 = arith.muli %scan3A_217, %mul3A_219 : i32
        %add3A_221 = vector.broadcast %mul3A_220 : i32 to vector<16xi32>
        %add3A_222 = arith.addi %iota3A, %add3A_221 : vector<16xi32>
        %broadcast_in_dim3A = arith.constant 0.000000e+00 : f32
        %broadcast_in_dim3A_223 = vector.broadcast %broadcast_in_dim3A : f32 to vector<16xf32>
        %scan3A_224 = arith.constant 0 : i32
        %scan3A_225 = arith.constant 8 : i32
        %scan3A_226 = arith.addi %scan3A_224, %scan3A_225 : i32
        %scan3A_227 = arith.constant 1 : i32
        %scan3A_228 = scf.for %scan3A_244 = %scan3A_224 to %scan3A_226 step %scan3A_227 iter_args(%scan3A_245 = %broadcast_in_dim3A_223) -> (vector<16xf32>)  : i32 {
          %mul3A_246 = arith.constant 8 : i32
          %mul3A_247 = arith.muli %scan3A_244, %mul3A_246 : i32
          %add3A_248 = vector.broadcast %mul3A_247 : i32 to vector<16xi32>
          %add3A_249 = arith.addi %iota3A, %add3A_248 : vector<16xi32>
          %add3A_250 = arith.constant 0 : i32
          %add3A_251 = vector.broadcast %add3A_250 : i32 to vector<16xi32>
          %add3A_252 = arith.addi %add3A_249, %add3A_251 : vector<16xi32>
          %and3A = arith.constant 63 : i32
          %and3A_253 = vector.broadcast %and3A : i32 to vector<16xi32>
          %and3A_254 = arith.andi %add3A_252, %and3A_253 : vector<16xi32>
          %gather3A = tpu.vector_load_idx %arg12[%add3A_222, %and3A_254] : memref<64x64xi32, #tpu.memory_space<vmem>>[vector<16xi32>, vector<16xi32>], vector<16xi32>,
          %gather3A_255 = tpu.vector_load_idx %arg16[%add3A_222, %and3A_254] : memref<64x64xi32, #tpu.memory_space<vmem>>[vector<16xi32>, vector<16xi32>], vector<16xi32>,
          %bitcast3A = vector.bitcast %gather3A : vector<16xi32> to vector<32xbf16>
          %unpack3A = tpu.unpack_subelements %bitcast3A, 0 {pack_format = #tpu.pack_format<interleaved>} : vector<32xbf16> -> vector<16xf32>
          %unpack3A_256 = tpu.unpack_subelements %bitcast3A, 1 {pack_format = #tpu.pack_format<interleaved>} : vector<32xbf16> -> vector<16xf32>
          %bitcast3A_257 = vector.bitcast %gather3A_255 : vector<16xi32> to vector<32xbf16>
          %unpack3A_258 = tpu.unpack_subelements %bitcast3A_257, 0 {pack_format = #tpu.pack_format<interleaved>} : vector<32xbf16> -> vector<16xf32>
          %unpack3A_259 = tpu.unpack_subelements %bitcast3A_257, 1 {pack_format = #tpu.pack_format<interleaved>} : vector<32xbf16> -> vector<16xf32>
          %mul3A_260 = arith.mulf %unpack3A, %unpack3A_258 : vector<16xf32>
          %add3A_261 = arith.addf %scan3A_245, %mul3A_260 : vector<16xf32>
          %mul3A_262 = arith.mulf %unpack3A_256, %unpack3A_259 : vector<16xf32>
          %add3A_263 = arith.addf %add3A_261, %mul3A_262 : vector<16xf32>
          %add3A_264 = arith.constant 1 : i32
          %add3A_265 = vector.broadcast %add3A_264 : i32 to vector<16xi32>
          %add3A_266 = arith.addi %add3A_249, %add3A_265 : vector<16xi32>
          %and3A_267 = arith.constant 63 : i32
          %and3A_268 = vector.broadcast %and3A_267 : i32 to vector<16xi32>
          %and3A_269 = arith.andi %add3A_266, %and3A_268 : vector<16xi32>
          %gather3A_270 = tpu.vector_load_idx %arg12[%add3A_222, %and3A_269] : memref<64x64xi32, #tpu.memory_space<vmem>>[vector<16xi32>, vector<16xi32>], vector<16xi32>,
          %gather3A_271 = tpu.vector_load_idx %arg16[%add3A_222, %and3A_269] : memref<64x64xi32, #tpu.memory_space<vmem>>[vector<16xi32>, vector<16xi32>], vector<16xi32>,
          %bitcast3A_272 = vector.bitcast %gather3A_270 : vector<16xi32> to vector<32xbf16>
          %unpack3A_273 = tpu.unpack_subelements %bitcast3A_272, 0 {pack_format = #tpu.pack_format<interleaved>} : vector<32xbf16> -> vector<16xf32>
          %unpack3A_274 = tpu.unpack_subelements %bitcast3A_272, 1 {pack_format = #tpu.pack_format<interleaved>} : vector<32xbf16> -> vector<16xf32>
          %bitcast3A_275 = vector.bitcast %gather3A_271 : vector<16xi32> to vector<32xbf16>
          %unpack3A_276 = tpu.unpack_subelements %bitcast3A_275, 0 {pack_format = #tpu.pack_format<interleaved>} : vector<32xbf16> -> vector<16xf32>
          %unpack3A_277 = tpu.unpack_subelements %bitcast3A_275, 1 {pack_format = #tpu.pack_format<interleaved>} : vector<32xbf16> -> vector<16xf32>
          %mul3A_278 = arith.mulf %unpack3A_273, %unpack3A_276 : vector<16xf32>
          %add3A_279 = arith.addf %add3A_263, %mul3A_278 : vector<16xf32>
          %mul3A_280 = arith.mulf %unpack3A_274, %unpack3A_277 : vector<16xf32>
          %add3A_281 = arith.addf %add3A_279, %mul3A_280 : vector<16xf32>
          %add3A_282 = arith.constant 2 : i32
          %add3A_283 = vector.broadcast %add3A_282 : i32 to vector<16xi32>
          %add3A_284 = arith.addi %add3A_249, %add3A_283 : vector<16xi32>
          %and3A_285 = arith.constant 63 : i32
          %and3A_286 = vector.broadcast %and3A_285 : i32 to vector<16xi32>
          %and3A_287 = arith.andi %add3A_284, %and3A_286 : vector<16xi32>
          %gather3A_288 = tpu.vector_load_idx %arg12[%add3A_222, %and3A_287] : memref<64x64xi32, #tpu.memory_space<vmem>>[vector<16xi32>, vector<16xi32>], vector<16xi32>,
          %gather3A_289 = tpu.vector_load_idx %arg16[%add3A_222, %and3A_287] : memref<64x64xi32, #tpu.memory_space<vmem>>[vector<16xi32>, vector<16xi32>], vector<16xi32>,
          %bitcast3A_290 = vector.bitcast %gather3A_288 : vector<16xi32> to vector<32xbf16>
          %unpack3A_291 = tpu.unpack_subelements %bitcast3A_290, 0 {pack_format = #tpu.pack_format<interleaved>} : vector<32xbf16> -> vector<16xf32>
          %unpack3A_292 = tpu.unpack_subelements %bitcast3A_290, 1 {pack_format = #tpu.pack_format<interleaved>} : vector<32xbf16> -> vector<16xf32>
          %bitcast3A_293 = vector.bitcast %gather3A_289 : vector<16xi32> to vector<32xbf16>
          %unpack3A_294 = tpu.unpack_subelements %bitcast3A_293, 0 {pack_format = #tpu.pack_format<interleaved>} : vector<32xbf16> -> vector<16xf32>
          %unpack3A_295 = tpu.unpack_subelements %bitcast3A_293, 1 {pack_format = #tpu.pack_format<interleaved>} : vector<32xbf16> -> vector<16xf32>
          %mul3A_296 = arith.mulf %unpack3A_291, %unpack3A_294 : vector<16xf32>
          %add3A_297 = arith.addf %add3A_281, %mul3A_296 : vector<16xf32>
          %mul3A_298 = arith.mulf %unpack3A_292, %unpack3A_295 : vector<16xf32>
          %add3A_299 = arith.addf %add3A_297, %mul3A_298 : vector<16xf32>
          %add3A_300 = arith.constant 3 : i32
          %add3A_301 = vector.broadcast %add3A_300 : i32 to vector<16xi32>
          %add3A_302 = arith.addi %add3A_249, %add3A_301 : vector<16xi32>
          %and3A_303 = arith.constant 63 : i32
          %and3A_304 = vector.broadcast %and3A_303 : i32 to vector<16xi32>
          %and3A_305 = arith.andi %add3A_302, %and3A_304 : vector<16xi32>
          %gather3A_306 = tpu.vector_load_idx %arg12[%add3A_222, %and3A_305] : memref<64x64xi32, #tpu.memory_space<vmem>>[vector<16xi32>, vector<16xi32>], vector<16xi32>,
          %gather3A_307 = tpu.vector_load_idx %arg16[%add3A_222, %and3A_305] : memref<64x64xi32, #tpu.memory_space<vmem>>[vector<16xi32>, vector<16xi32>], vector<16xi32>,
          %bitcast3A_308 = vector.bitcast %gather3A_306 : vector<16xi32> to vector<32xbf16>
          %unpack3A_309 = tpu.unpack_subelements %bitcast3A_308, 0 {pack_format = #tpu.pack_format<interleaved>} : vector<32xbf16> -> vector<16xf32>
          %unpack3A_310 = tpu.unpack_subelements %bitcast3A_308, 1 {pack_format = #tpu.pack_format<interleaved>} : vector<32xbf16> -> vector<16xf32>
          %bitcast3A_311 = vector.bitcast %gather3A_307 : vector<16xi32> to vector<32xbf16>
          %unpack3A_312 = tpu.unpack_subelements %bitcast3A_311, 0 {pack_format = #tpu.pack_format<interleaved>} : vector<32xbf16> -> vector<16xf32>
          %unpack3A_313 = tpu.unpack_subelements %bitcast3A_311, 1 {pack_format = #tpu.pack_format<interleaved>} : vector<32xbf16> -> vector<16xf32>
          %mul3A_314 = arith.mulf %unpack3A_309, %unpack3A_312 : vector<16xf32>
          %add3A_315 = arith.addf %add3A_299, %mul3A_314 : vector<16xf32>
          %mul3A_316 = arith.mulf %unpack3A_310, %unpack3A_313 : vector<16xf32>
          %add3A_317 = arith.addf %add3A_315, %mul3A_316 : vector<16xf32>
          %add3A_318 = arith.constant 4 : i32
          %add3A_319 = vector.broadcast %add3A_318 : i32 to vector<16xi32>
          %add3A_320 = arith.addi %add3A_249, %add3A_319 : vector<16xi32>
          %and3A_321 = arith.constant 63 : i32
          %and3A_322 = vector.broadcast %and3A_321 : i32 to vector<16xi32>
          %and3A_323 = arith.andi %add3A_320, %and3A_322 : vector<16xi32>
          %gather3A_324 = tpu.vector_load_idx %arg12[%add3A_222, %and3A_323] : memref<64x64xi32, #tpu.memory_space<vmem>>[vector<16xi32>, vector<16xi32>], vector<16xi32>,
          %gather3A_325 = tpu.vector_load_idx %arg16[%add3A_222, %and3A_323] : memref<64x64xi32, #tpu.memory_space<vmem>>[vector<16xi32>, vector<16xi32>], vector<16xi32>,
          %bitcast3A_326 = vector.bitcast %gather3A_324 : vector<16xi32> to vector<32xbf16>
          %unpack3A_327 = tpu.unpack_subelements %bitcast3A_326, 0 {pack_format = #tpu.pack_format<interleaved>} : vector<32xbf16> -> vector<16xf32>
          %unpack3A_328 = tpu.unpack_subelements %bitcast3A_326, 1 {pack_format = #tpu.pack_format<interleaved>} : vector<32xbf16> -> vector<16xf32>
          %bitcast3A_329 = vector.bitcast %gather3A_325 : vector<16xi32> to vector<32xbf16>
          %unpack3A_330 = tpu.unpack_subelements %bitcast3A_329, 0 {pack_format = #tpu.pack_format<interleaved>} : vector<32xbf16> -> vector<16xf32>
          %unpack3A_331 = tpu.unpack_subelements %bitcast3A_329, 1 {pack_format = #tpu.pack_format<interleaved>} : vector<32xbf16> -> vector<16xf32>
          %mul3A_332 = arith.mulf %unpack3A_327, %unpack3A_330 : vector<16xf32>
          %add3A_333 = arith.addf %add3A_317, %mul3A_332 : vector<16xf32>
          %mul3A_334 = arith.mulf %unpack3A_328, %unpack3A_331 : vector<16xf32>
          %add3A_335 = arith.addf %add3A_333, %mul3A_334 : vector<16xf32>
          %add3A_336 = arith.constant 5 : i32
          %add3A_337 = vector.broadcast %add3A_336 : i32 to vector<16xi32>
          %add3A_338 = arith.addi %add3A_249, %add3A_337 : vector<16xi32>
          %and3A_339 = arith.constant 63 : i32
          %and3A_340 = vector.broadcast %and3A_339 : i32 to vector<16xi32>
          %and3A_341 = arith.andi %add3A_338, %and3A_340 : vector<16xi32>
          %gather3A_342 = tpu.vector_load_idx %arg12[%add3A_222, %and3A_341] : memref<64x64xi32, #tpu.memory_space<vmem>>[vector<16xi32>, vector<16xi32>], vector<16xi32>,
          %gather3A_343 = tpu.vector_load_idx %arg16[%add3A_222, %and3A_341] : memref<64x64xi32, #tpu.memory_space<vmem>>[vector<16xi32>, vector<16xi32>], vector<16xi32>,
          %bitcast3A_344 = vector.bitcast %gather3A_342 : vector<16xi32> to vector<32xbf16>
          %unpack3A_345 = tpu.unpack_subelements %bitcast3A_344, 0 {pack_format = #tpu.pack_format<interleaved>} : vector<32xbf16> -> vector<16xf32>
          %unpack3A_346 = tpu.unpack_subelements %bitcast3A_344, 1 {pack_format = #tpu.pack_format<interleaved>} : vector<32xbf16> -> vector<16xf32>
          %bitcast3A_347 = vector.bitcast %gather3A_343 : vector<16xi32> to vector<32xbf16>
          %unpack3A_348 = tpu.unpack_subelements %bitcast3A_347, 0 {pack_format = #tpu.pack_format<interleaved>} : vector<32xbf16> -> vector<16xf32>
          %unpack3A_349 = tpu.unpack_subelements %bitcast3A_347, 1 {pack_format = #tpu.pack_format<interleaved>} : vector<32xbf16> -> vector<16xf32>
          %mul3A_350 = arith.mulf %unpack3A_345, %unpack3A_348 : vector<16xf32>
          %add3A_351 = arith.addf %add3A_335, %mul3A_350 : vector<16xf32>
          %mul3A_352 = arith.mulf %unpack3A_346, %unpack3A_349 : vector<16xf32>
          %add3A_353 = arith.addf %add3A_351, %mul3A_352 : vector<16xf32>
          %add3A_354 = arith.constant 6 : i32
          %add3A_355 = vector.broadcast %add3A_354 : i32 to vector<16xi32>
          %add3A_356 = arith.addi %add3A_249, %add3A_355 : vector<16xi32>
          %and3A_357 = arith.constant 63 : i32
          %and3A_358 = vector.broadcast %and3A_357 : i32 to vector<16xi32>
          %and3A_359 = arith.andi %add3A_356, %and3A_358 : vector<16xi32>
          %gather3A_360 = tpu.vector_load_idx %arg12[%add3A_222, %and3A_359] : memref<64x64xi32, #tpu.memory_space<vmem>>[vector<16xi32>, vector<16xi32>], vector<16xi32>,
          %gather3A_361 = tpu.vector_load_idx %arg16[%add3A_222, %and3A_359] : memref<64x64xi32, #tpu.memory_space<vmem>>[vector<16xi32>, vector<16xi32>], vector<16xi32>,
          %bitcast3A_362 = vector.bitcast %gather3A_360 : vector<16xi32> to vector<32xbf16>
          %unpack3A_363 = tpu.unpack_subelements %bitcast3A_362, 0 {pack_format = #tpu.pack_format<interleaved>} : vector<32xbf16> -> vector<16xf32>
          %unpack3A_364 = tpu.unpack_subelements %bitcast3A_362, 1 {pack_format = #tpu.pack_format<interleaved>} : vector<32xbf16> -> vector<16xf32>
          %bitcast3A_365 = vector.bitcast %gather3A_361 : vector<16xi32> to vector<32xbf16>
          %unpack3A_366 = tpu.unpack_subelements %bitcast3A_365, 0 {pack_format = #tpu.pack_format<interleaved>} : vector<32xbf16> -> vector<16xf32>
          %unpack3A_367 = tpu.unpack_subelements %bitcast3A_365, 1 {pack_format = #tpu.pack_format<interleaved>} : vector<32xbf16> -> vector<16xf32>
          %mul3A_368 = arith.mulf %unpack3A_363, %unpack3A_366 : vector<16xf32>
          %add3A_369 = arith.addf %add3A_353, %mul3A_368 : vector<16xf32>
          %mul3A_370 = arith.mulf %unpack3A_364, %unpack3A_367 : vector<16xf32>
          %add3A_371 = arith.addf %add3A_369, %mul3A_370 : vector<16xf32>
          %add3A_372 = arith.constant 7 : i32
          %add3A_373 = vector.broadcast %add3A_372 : i32 to vector<16xi32>
          %add3A_374 = arith.addi %add3A_249, %add3A_373 : vector<16xi32>
          %and3A_375 = arith.constant 63 : i32
          %and3A_376 = vector.broadcast %and3A_375 : i32 to vector<16xi32>
          %and3A_377 = arith.andi %add3A_374, %and3A_376 : vector<16xi32>
          %gather3A_378 = tpu.vector_load_idx %arg12[%add3A_222, %and3A_377] : memref<64x64xi32, #tpu.memory_space<vmem>>[vector<16xi32>, vector<16xi32>], vector<16xi32>,
          %gather3A_379 = tpu.vector_load_idx %arg16[%add3A_222, %and3A_377] : memref<64x64xi32, #tpu.memory_space<vmem>>[vector<16xi32>, vector<16xi32>], vector<16xi32>,
          %bitcast3A_380 = vector.bitcast %gather3A_378 : vector<16xi32> to vector<32xbf16>
          %unpack3A_381 = tpu.unpack_subelements %bitcast3A_380, 0 {pack_format = #tpu.pack_format<interleaved>} : vector<32xbf16> -> vector<16xf32>
          %unpack3A_382 = tpu.unpack_subelements %bitcast3A_380, 1 {pack_format = #tpu.pack_format<interleaved>} : vector<32xbf16> -> vector<16xf32>
          %bitcast3A_383 = vector.bitcast %gather3A_379 : vector<16xi32> to vector<32xbf16>
          %unpack3A_384 = tpu.unpack_subelements %bitcast3A_383, 0 {pack_format = #tpu.pack_format<interleaved>} : vector<32xbf16> -> vector<16xf32>
          %unpack3A_385 = tpu.unpack_subelements %bitcast3A_383, 1 {pack_format = #tpu.pack_format<interleaved>} : vector<32xbf16> -> vector<16xf32>
          %mul3A_386 = arith.mulf %unpack3A_381, %unpack3A_384 : vector<16xf32>
          %add3A_387 = arith.addf %add3A_371, %mul3A_386 : vector<16xf32>
          %mul3A_388 = arith.mulf %unpack3A_382, %unpack3A_385 : vector<16xf32>
          %add3A_389 = arith.addf %add3A_387, %mul3A_388 : vector<16xf32>
          scf.yield %add3A_389 : vector<16xf32>
        }
        %scan3A_229 = arith.constant 8 : i32
        %neg3A = arith.constant 0.000000e+00 : f32
        %neg3A_230 = vector.broadcast %neg3A : f32 to vector<16xf32>
        %neg3A_231 = arith.subf %neg3A_230, %scan3A_228 : vector<16xf32>
        %exp3A = math.exp %neg3A_231 : vector<16xf32>
        %add3A_232 = arith.constant 1.000000e+00 : f32
        %add3A_233 = vector.broadcast %add3A_232 : f32 to vector<16xf32>
        %add3A_234 = arith.addf %add3A_233, %exp3A : vector<16xf32>
        %div3A = arith.constant 1.000000e+00 : f32
        %div3A_235 = vector.broadcast %div3A : f32 to vector<16xf32>
        %div3A_236 = arith.divf %div3A_235, %add3A_234 : vector<16xf32>
        %mul3A_237 = arith.constant 64 : i32
        %mul3A_238 = arith.muli %add3A_183, %mul3A_237 : i32
        %mul3A_239 = arith.constant 16 : i32
        %mul3A_240 = arith.muli %scan3A_217, %mul3A_239 : i32
        %add3A_241 = arith.addi %mul3A_238, %mul3A_240 : i32
        %swap3A = arith.index_cast %add3A_241 : i32 to index
        %swap3A_242 = tpu.vector_load %arg17[%swap3A] {strides = array<i32>} : memref<512xf32, #tpu.memory_space<vmem>>, vector<16xf32>,
        tpu.vector_store %arg17[%swap3A], %div3A_236 {strides = array<i32>} : memref<512xf32, #tpu.memory_space<vmem>>, vector<16xf32>,
        %scan3A_243 = arith.constant 0 : i32
        scf.yield %scan3A_243 : i32
      }
      %scan3A_208 = arith.constant 4 : i32
      %add3A_209 = arith.constant 4 : i32
      %add3A_210 = arith.addi %add3A_183, %add3A_209 : i32
      %lt3A_211 = arith.constant 8 : i32
      %lt3A_212 = arith.cmpi slt, %add3A_210, %lt3A_211 : i32
      %convert_element_type3A_213 = arith.extui %lt3A_212 : i1 to i32
      %cond3A_214 = arith.constant 0 : i32
      %cond3A_215 = arith.cmpi ne, %convert_element_type3A_213, %cond3A_214 : i32
      scf.if %cond3A_215 {
        %mul3A_217 = arith.constant 64 : i32
        %mul3A_218 = arith.muli %add3A_210, %mul3A_217 : i32
        %dma_start3A_219 = arith.constant 3 : i32
        %dma_start3A_220 = arith.constant 0 : i32
        %dma_start3A_221 = tpu.memref_slice %arg7[%mul3A_218] : memref<512xi32, #tpu.memory_space<vmem>> -> memref<64xi32, #tpu.memory_space<vmem>>
        %dma_start3A_222 = arith.constant 0 : i32
        %dma_start3A_223 = arith.constant 0 : i32
        %dma_start3A_224 = tpu.memref_slice %arg4[%dma_start3A_222, %dma_start3A_223] : memref<1000x64xi32, #tpu.memory_space<hbm>> -> memref<1000x64xi32, #tpu.memory_space<hbm>>
        %dma_start3A_225 = tpu.memref_slice %arg18[%dma_start3A_219, %dma_start3A_220] : memref<4x2x!tpu.dma_semaphore, #tpu.memory_space<semaphore_mem>> -> memref<1x1x!tpu.dma_semaphore, #tpu.memory_space<semaphore_mem>>
        %dma_start3A_226 = tpu.memref_squeeze %dma_start3A_225 : memref<1x1x!tpu.dma_semaphore, #tpu.memory_space<semaphore_mem>> -> memref<!tpu.dma_semaphore, #tpu.memory_space<semaphore_mem>>
        tpu.enqueue_indirect_dma source(%dma_start3A_224 : memref<1000x64xi32, #tpu.memory_space<hbm>>) target(%arg12 : memref<64x64xi32, #tpu.memory_space<vmem>>) offsets(%dma_start3A_221 : memref<64xi32, #tpu.memory_space<vmem>>) semaphore(%dma_start3A_226 : memref<!tpu.dma_semaphore, #tpu.memory_space<semaphore_mem>>)
        %mul3A_227 = arith.constant 64 : i32
        %mul3A_228 = arith.muli %add3A_210, %mul3A_227 : i32
        %dma_start3A_229 = arith.constant 3 : i32
        %dma_start3A_230 = arith.constant 1 : i32
        %dma_start3A_231 = tpu.memref_slice %arg8[%mul3A_228] : memref<512xi32, #tpu.memory_space<vmem>> -> memref<64xi32, #tpu.memory_space<vmem>>
        %dma_start3A_232 = arith.constant 0 : i32
        %dma_start3A_233 = arith.constant 0 : i32
        %dma_start3A_234 = tpu.memref_slice %arg5[%dma_start3A_232, %dma_start3A_233] : memref<1000x64xi32, #tpu.memory_space<hbm>> -> memref<1000x64xi32, #tpu.memory_space<hbm>>
        %dma_start3A_235 = tpu.memref_slice %arg18[%dma_start3A_229, %dma_start3A_230] : memref<4x2x!tpu.dma_semaphore, #tpu.memory_space<semaphore_mem>> -> memref<1x1x!tpu.dma_semaphore, #tpu.memory_space<semaphore_mem>>
        %dma_start3A_236 = tpu.memref_squeeze %dma_start3A_235 : memref<1x1x!tpu.dma_semaphore, #tpu.memory_space<semaphore_mem>> -> memref<!tpu.dma_semaphore, #tpu.memory_space<semaphore_mem>>
        tpu.enqueue_indirect_dma source(%dma_start3A_234 : memref<1000x64xi32, #tpu.memory_space<hbm>>) target(%arg16 : memref<64x64xi32, #tpu.memory_space<vmem>>) offsets(%dma_start3A_231 : memref<64xi32, #tpu.memory_space<vmem>>) semaphore(%dma_start3A_236 : memref<!tpu.dma_semaphore, #tpu.memory_space<semaphore_mem>>)
      } else {
      }
      %scan3A_216 = arith.constant 0 : i32
      scf.yield %scan3A_216 : i32
    }
    %scan3A_79 = arith.constant 2 : i32
    "tpu.region"() ({
      %run_scoped3A = tpu.sem_alloc : memref<!tpu.dma_semaphore, #tpu.memory_space<semaphore_mem>>
      %dma_start3A_80 = tpu.memref_slice %arg6[%mul3A_2] : memref<16384xf32, #tpu.memory_space<hbm>> -> memref<512xf32, #tpu.memory_space<hbm>>
      %dma_start3A_81 = tpu.memref_slice %arg6[%mul3A_2] : memref<16384xf32, #tpu.memory_space<hbm>> -> memref<512xf32, #tpu.memory_space<hbm>>
      tpu.enqueue_dma source(%arg17 : memref<512xf32, #tpu.memory_space<vmem>>) target(%dma_start3A_81 : memref<512xf32, #tpu.memory_space<hbm>>) target_semaphore(%run_scoped3A : memref<!tpu.dma_semaphore, #tpu.memory_space<semaphore_mem>>)
      %dma_wait3A = tpu.memref_slice %arg6[%mul3A_2] : memref<16384xf32, #tpu.memory_space<hbm>> -> memref<512xf32, #tpu.memory_space<hbm>>
      %dma_wait3A_82 = tpu.memref_slice %arg6[%mul3A_2] : memref<16384xf32, #tpu.memory_space<hbm>> -> memref<512xf32, #tpu.memory_space<hbm>>
      tpu.wait_dma2 semaphore(%run_scoped3A : memref<!tpu.dma_semaphore, #tpu.memory_space<semaphore_mem>>) src(%arg17 : memref<512xf32, #tpu.memory_space<vmem>>) dst(%dma_wait3A_82 : memref<512xf32, #tpu.memory_space<hbm>>)
      tpu.yield
    }) : () -> ()
    return
  }
}

</mosaic_0001>

<sc_bundles>
// kernel: _run.3.cloned.1.call-start
scs
__scs_entry_jumppad:
0x0: {  	(pc) =	sbr.rel $0x88, $3  }
0x1: {  	(tag) =	ssettag $0x0;
	lr =	simm.s32 $0x1  }
0x2: {  	[smem:$0x3F9D] =	sst lr;
	_ =	strace $0xD0000000  }
0x3: {  	_ = 	snop  }
0x4: {  	_ = 	snop  }
0x5: {  	_ = 	snop  }
0x6: {  	_ = 	snop  }
0x7: {  	_ = 	snop  }
__scs_overlays_trampoline_lowered:
0x8: {  	[smem:$0x3FAC] =	sst s0  }
0x9: {  	[smem:$0x3FAD] =	sst s1  }
0xa: {  	[smem:$0x3FAE] =	sst s2  }
0xb: {  	[smem:$0x3FAF] =	sst s3  }
0xc: {  	[smem:$0x3FB0] =	sst s4  }
0xd: {  	[smem:$0x3FB1] =	sst s5  }
0xe: {  	[smem:$0x3FB2] =	sst s6  }
0xf: {  	[smem:$0x3FB3] =	sst s7  }
0x10: {  	[smem:$0x3FB4] =	sst s8  }
0x11: {  	[smem:$0x3FB5] =	sst s9;
	s0 =	simm.s32 @!p0 $0x0  }
0x12: {  	s1 =	sld [smem:$0x3F9B];
	s0 =	simm.s32 @p0 $0x1  }
0x13: {  	[smem:$0x3FB6] =	sst s0;
	s0 =	simm.s32 @!p1 $0x0  }
0x14: {  	s2 =	sld [smem:$0x3F9A];
	s0 =	simm.s32 @p1 $0x1  }
0x15: {  	[smem:$0x3FB7] =	sst s0;
	s0 =	simm.s32 @!p2 $0x0  }
0x16: {  	s3 =	sld [smem:$0x3FDB];
	s0 =	simm.s32 @p2 $0x1  }
0x17: {  	s4 =	simm.s32 $0x1BF5;
	[smem:$0x3FB9] =	sst s0  }
0x18: {  	s0 =	sld [smem:$0x3F9C];
	_ =	swait.ge [sflag:s4], $0x0  }
0x19: {  	s7 =	sld [smem:$0x3F9D]  }
0x1a: {  	s8 =	sadd.s32 $0xFFFFE003, lr  }
0x1b: {  	s9 =	sadd.s32 $0xFFFFFEF7, lr;
	s5 =	simm.s32 $0xFFFFFFFF;
	p2 =	slt.u32 s8, $0xFFFFF086  }
0x1c: {  	p1 =	slt.u32 s9, $0xF7A;
	s5 =	simm.s32 @!p2 $0x0  }
0x1d: {  	s5 =	simm.s32 @p1 $0x1;
	p0 =	seq.s32 s7, s2  }
0x1e: {  	s7 =	smul.u32 @!p0 $0xF7A, s2;
	p2 =	seq.s32 @!p0 s5, $0x0  }
0x1f: {  	s9 =	smul.u32 $0xF7A, s1;
	s8 =	simm.s32 @!p0 $0x1BF5;
	p2 =	por !p2, p0  }
0x20: {  	[sflag:s8] =	ssyncset.s32 @!p0 $0xFFFFF086;
	s6 =	sadd.s32 @!p0 s3, s7;
	s7 =	simm.s32 @!p0 $0x108  }
0x21: {  	s3 =	sadd.s32 s3, s9;
	s6 =	sadd.s32 @!p0 $0x88, s6;
	s7 =	simm.s32 @p2 $0x1082  }
0x22: {  	[simem:s7], [sflag:s8] =	dma.local @!p0 [hbm:s6], $0xF7A  }
0x23: {  	s9 =	sor.u32 $0xD0000000, s2;
	s6 =	simm.s32 $0x108;
	_ =	swait.ge @!p0 [sflag:s8], $0x0  }
0x24: {  	s3 =	sadd.s32 $0x88, s3;
	s6 =	simm.s32 @!p1 $0x1082;
	[sflag:s4] =	ssyncset.s32 $0xFFFFF086  }
0x25: {  	[simem:s6], [sflag:s4] =	dma.local [hbm:s3], $0xF7A  }
0x26: {  	[smem:$0x3F9D] =	sst s1;
	(tag) =	ssettag s2;
	_ =	strace s9  }
0x27: {  	s1 =	sld [smem:$0x3FAD]  }
0x28: {  	s2 =	sld [smem:$0x3FAE]  }
0x29: {  	s4 =	sld [smem:$0x3FB0]  }
0x2a: {  	p0 =	seq.s32 s5, $0x0;
	s5 =	sld [smem:$0x3FB1]  }
0x2b: {  	s6 =	sld [smem:$0x3FB2]  }
0x2c: {  	s7 =	sld [smem:$0x3FB3]  }
0x2d: {  	s3 =	simm.s32 $0x108;
	s8 =	sld [smem:$0x3FB4]  }
0x2e: {  	s3 =	simm.s32 @!p0 $0x1082;
	s9 =	sld [smem:$0x3FB5]  }
0x2f: {  	lr =	sadd.s32 s0, s3;
	s0 =	sld [smem:$0x3FAC]  }
0x30: {  	s3 =	sld [smem:$0x3FAF]  }
0x31: {  	[smem:$0x3FB8] =	sst s10  }
0x32: {  	s10 =	sld [smem:$0x3FB6];
	_ =	sdelay $0x3  }
0x33: {  	p0 =	seq.s32 s10, $0x1;
	s10 =	sld [smem:$0x3FB8];
	_ =	sdelay $0x3  }
0x34: {  	[smem:$0x3FB8] =	sst s10  }
0x35: {  	s10 =	sld [smem:$0x3FB7];
	_ =	sdelay $0x3  }
0x36: {  	p1 =	seq.s32 s10, $0x1;
	s10 =	sld [smem:$0x3FB8];
	_ =	sdelay $0x3  }
0x37: {  	[smem:$0x3FB8] =	sst s10  }
0x38: {  	s10 =	sld [smem:$0x3FB9]  }
0x39: {  	_ = 	snop;
	(pc) =	sbr.ind lr, $3  }
0x3a: {  	_ = 	snop  }
0x3b: {  	_ = 	snop  }
0x3c: {  	p2 =	seq.s32 s10, $0x1;
	s10 =	sld [smem:$0x3FB8]  }
0x3d: {  	_ =	shalt  }
0x3e: {  	_ =	shalt  }
0x3f: {  	_ =	shalt  }
0x40: {  	_ =	shalt  }
0x41: {  	_ =	shalt  }
0x42: {  	_ =	shalt  }
0x43: {  	_ =	shalt  }
0x44: {  	_ =	shalt  }
0x45: {  	_ =	shalt  }
0x46: {  	_ =	shalt  }
0x47: {  	_ =	shalt  }
0x48: {  	_ =	shalt  }
0x49: {  	_ =	shalt  }
0x4a: {  	_ =	shalt  }
0x4b: {  	_ =	shalt  }
0x4c: {  	_ =	shalt  }
0x4d: {  	_ =	shalt  }
0x4e: {  	_ =	shalt  }
0x4f: {  	_ =	shalt  }
0x50: {  	_ =	shalt  }
0x51: {  	_ =	shalt  }
0x52: {  	_ =	shalt  }
0x53: {  	_ =	shalt  }
0x54: {  	_ =	shalt  }
0x55: {  	_ =	shalt  }
0x56: {  	_ =	shalt  }
0x57: {  	_ =	shalt  }
0x58: {  	_ =	shalt  }
0x59: {  	_ =	shalt  }
0x5a: {  	_ =	shalt  }
0x5b: {  	_ =	shalt  }
0x5c: {  	_ =	shalt  }
0x5d: {  	_ =	shalt  }
0x5e: {  	_ =	shalt  }
0x5f: {  	_ =	shalt  }
0x60: {  	_ =	shalt  }
0x61: {  	_ =	shalt  }
0x62: {  	_ =	shalt  }
0x63: {  	_ =	shalt  }
0x64: {  	_ =	shalt  }
0x65: {  	_ =	shalt  }
0x66: {  	_ =	shalt  }
0x67: {  	_ =	shalt  }
0x68: {  	_ =	shalt  }
0x69: {  	_ =	shalt  }
0x6a: {  	_ =	shalt  }
0x6b: {  	_ =	shalt  }
0x6c: {  	_ =	shalt  }
0x6d: {  	_ =	shalt  }
0x6e: {  	_ =	shalt  }
0x6f: {  	_ =	shalt  }
0x70: {  	_ =	shalt  }
0x71: {  	_ =	shalt  }
0x72: {  	_ =	shalt  }
0x73: {  	_ =	shalt  }
0x74: {  	_ =	shalt  }
0x75: {  	_ =	shalt  }
0x76: {  	_ =	shalt  }
0x77: {  	_ =	shalt  }
0x78: {  	_ =	shalt  }
0x79: {  	_ =	shalt  }
0x7a: {  	_ =	shalt  }
0x7b: {  	_ =	shalt  }
0x7c: {  	_ =	shalt  }
0x7d: {  	_ =	shalt  }
0x7e: {  	_ =	shalt  }
0x7f: {  	_ =	shalt  }
0x80: {  	_ =	shalt  }
0x81: {  	_ =	shalt  }
0x82: {  	_ =	shalt  }
0x83: {  	_ =	shalt  }
0x84: {  	_ =	shalt  }
0x85: {  	_ =	shalt  }
0x86: {  	_ =	shalt  }
0x87: {  	_ =	shalt  }
.Lfunc_end0:
.L_simem_size_0:
called_computation_lowered:
.L_overlay_start_0:
0x88: {  	s2 =	sld [smem:$0x3FD9]  }
0x89: {  	s3 =	sld [smem:$0x3FFE];
	_ =	sdelay $0x1  }
0x8a: {  	s1 =	srdreg.scid  }
0x8b: {  	s0 =	sand.u32 $0x1, s1  }
0x8c: {  	s17 =	sshll.u32 s0, $0xA;
	s2 =	sadd.s32 s3, s2  }
0x8d: {  	s2 =	sadd.s32 s2, s17  }
0x8e: {  	[smem:$0x3FC4] =	sst s2  }
0x8f: {  	_ = 	snop  }
0x90: {  	s2 =	sld [smem:$0x3FC9]  }
0x91: {  	s18 =	sld [smem:$0x3FC8]  }
0x92: {  	s4 =	sld [smem:$0x3FD0];
	(tm) =	ssettm $0x1  }
0x93: {  	s5 =	sld [smem:$0x3FFB];
	_ =	sdelay $0x3  }
0x94: {  	_ =	strace s5  }
0x95: {  	s5 =	sld [smem:$0x3FFC];
	_ =	sdelay $0x3  }
0x96: {  	_ =	strace s5  }
0x97: {  	s5 =	sld [smem:$0x3FFD];
	_ =	sdelay $0x3  }
0x98: {  	_ =	strace s5  }
0x99: {  	_ =	strace $0x8FFFFFFF  }
0x9a: {  	s19 =	sld [smem:$0x3FDB];
	_ =	sdelay $0x1  }
0x9b: {  	s6 =	simm.s32 $_scs_section_size  }
0x9c: {  	s7 =	simm.s32 $_size__tile_overlayer_lowered;
	s8 =	simm.s32 $_tile_overlayer_lowered  }
0x9d: {  	s22 =	simm.s32 $0x1BFF;
	s21 =	sshll.u32 s8, $0x1;
	s5 =	sadd.s32 s6, s19  }
0x9e: {  	s9 =	simm.s32 $0x0;
	s20 =	sshll.u32 s7, $0x1;
	s7 =	sadd.s32 s21, s5  }
0x9f: {  	[timem:s9], [sflag:s22] =	dma.local [hbm:s7], s20  }
0xa0: {  	_ =	swait.ge [sflag:s22], s20  }
0xa1: {  	s6 =	ssub.s32 $0x0, s20;
	[sflag:s22] =	ssyncset.done $0x0  }
0xa2: {  	[sflag:s22] =	ssyncadd.s32 s6;
	_ =	sdelay $0x1  }
0xa3: {  	s23 =	simm.s32 $0x1B8B  }
0xa4: {  	_ =	swait.ge [sflag:s23], $0x1  }
0xa5: {  	[sflag:s23] =	ssyncset.done $0x0  }
0xa6: {  	s25 =	simm.s32 $0x1B8E;
	s24 =	sld [smem:$0x3FFE];
	[sflag:s23] =	ssyncadd.s32 $0xFFFFFFFF  }
0xa7: {  	s26 =	simm.s32 $execute0_lowered;
	[smem:$0x3FD2] =	sst s25  }
0xa8: {  	s7 =	sshll.u32 s26, $0x1;
	_ =	strace $0x80000046;
	[dreg:$0x1] =	wrdreg $0xFFFFFFFF  }
0xa9: {  	s28 =	simm.s32 $_size_execute0_lowered;
	s5 =	sadd.s32 s5, s7;
	[dreg:$0x0] =	wrdreg $0x0  }
0xaa: {  	s7 =	sshll.u32 s28, $0x1;
	[dreg:$0x2] =	wrdreg s5  }
0xab: {  	[dreg:$0x3] =	wrdreg s7  }
0xac: {  	[dreg:$0x4] =	wrdreg $0xC0  }
0xad: {  	_ =	task [dreg:s9], $0x5FFFF  }
0xae: {  	[dreg:$0x1] =	wrdreg $0xFFFFFFFF  }
0xaf: {  	[dreg:$0x0] =	wrdreg $0x60  }
0xb0: {  	[dreg:$0x2] =	wrdreg s2  }
0xb1: {  	[dreg:$0x3] =	wrdreg s18  }
0xb2: {  	[dreg:$0x4] =	wrdreg s24  }
0xb3: {  	[dreg:$0x5] =	wrdreg s4  }
0xb4: {  	[dreg:$0x6] =	wrdreg $0x9  }
0xb5: {  	_ =	task.clear_ibuf [dreg:s9], $0x7FFFF;
	_ =	strace $0x90000046  }
0xb6: {  	s29 =	simm.s32 $0x9;
	_ =	strace $0x80000048  }
0xb7: {  	_ =	swait.ge [sflag:s29], $0x1  }
0xb8: {  	[sflag:s29] =	ssyncadd.s32 $0xFFFFFFFF  }
0xb9: {  	_ =	strace $0x90000048  }
0xba: {  	_ =	sfence  }
0xbb: {  	s30 =	sld [smem:$0x0];
	_ =	sdelay $0x2  }
0xbc: {  	s31 =	sshll.u32 s1, $0xD;
	s1 =	sshrl.u32 s1, $0x2  }
0xbd: {  	s3 =	sand.u32 $0x4000, s31;
	s1 =	sadd.s32 s1, s30  }
0xbe: {  	s0 =	sor.u32 s3, s0;
	s1 =	sshll.u32 s1, $0x11  }
0xbf: {  	s0 =	sor.u32 s1, s0  }
0xc0: {  	s0 =	sadd.s32 $0x8F2B, s0  }
0xc1: {  	[sflag:s0] =	ssyncadd.remote.s32 $0x1  }
0xc2: {  	_ =	sfence.sel $0xFFFF  }
0xc3: {  	[dreg:$0x0] =	wrdreg $0xFFFFFFFF;
	(pc) =	sbr.abs _section_cstart, $3  }
0xc4: {  	[dreg:$0x1] =	wrdreg $0xFFFFFFFF  }
0xc5: {  	_ =	task.clear_ibuf [dreg:s9], $0x2FFFF;
	_ =	strace $0x9FFFFFFF  }
0xc6: {  	(tm) =	ssettm $0x7FFFFFFF  }
0xc7: {  	_ =	shalt  }
tec
execute0_lowered:
.L_overlay_start_1:
0x0: {  	(tag) =	ssettag $0x1  }
0x1: {  	s0 =	rddreg [dreg:$0x0]  }
0x2: {  	s1 =	rddreg [dreg:$0x1]  }
0x3: {  	s4 =	rddreg [dreg:$0x2]  }
0x4: {  	s5 =	rddreg [dreg:$0x3];
	s2 =	simm.s32 $0x0;
	s3 =	srdreg.scid  }
0x5: {  	s7 =	stileid.u32;
	v1 =	vimm.s32 $0x7654321;
	v4 =	vimm.s32 $0x10765432;
	s11 =	simm.s32 $0x40;
	s12 =	simm.s32 $0x400  }
0x6: {  	v5 =	vimm.s32 $0x21076543;
	s13 =	simm.s32 $0x4400;
	s14 =	simm.s32 $0x1400;
	s16 =	simm.s32 $0x5400  }
0x7: {  	v6 =	vimm.s32 $0x32107654;
	s18 =	simm.s32 $0x2400;
	s20 =	simm.s32 $0x6400;
	s21 =	simm.s32 $0x3400  }
0x8: {  	v0 =	vlaneseq.u32;
	v7 =	vimm.s32 $0x43210765;
	v8 =	vimm.s32 $0x54321076;
	s22 =	simm.s32 $0x7400;
	s23 =	simm.s32 $0x1;
	s24 =	simm.s32 $0x2  }
0x9: {  	v9 =	vimm.s32 $0x65432107;
	s25 =	simm.s32 $0x3;
	s28 =	simm.s32 $0x5;
	s29 =	simm.s32 $0x6;
	v3 =	vunpack.c.l.s4.s8 v1;
	v1 =	vmul.u32 $0x40, v0  }
0xa: {  	s30 =	simm.s32 $0x7;
	s31 =	simm.s32 $0x8;
	[smem:$0x7FF] =	sst s2;
	v2 =	vand.u32 $0x7, v0;
	v4 =	vunpack.c.l.s4.s8 v4;
	v5 =	vunpack.c.l.s4.s8 v5  }
0xb: {  	s3 =	sand.u32 $0x1, s3;
	s7 =	sshll.u32 s7, $0x7;
	v6 =	vunpack.c.l.s4.s8 v6;
	v7 =	vunpack.c.l.s4.s8 v7;
	v8 =	vunpack.c.l.s4.s8 v8;
	_ =	strace $0x80000047  }
0xc: {  	v9 =	vunpack.c.l.s4.s8 v9;
	v10 =	vadd.s32 $0x1, v0;
	v11 =	vadd.s32 $0x2, v0;
	s6 =	ssub.s32 $0x2, s3;
	s8 =	sshll.u32 s3, $0x6;
	s3 =	sadd.s32 $0x600, s4  }
0xd: {  	v12 =	vadd.s32 $0x3, v0;
	v13 =	vadd.s32 $0x4, v0;
	v14 =	vadd.s32 $0x5, v0;
	s4 =	sadd.s32 $0x2600, s4;
	s9 =	sshrl.u32 s6, $0x1;
	s7 =	sor.u32 s8, s7  }
0xe: {  	v15 =	vadd.s32 $0x6, v0;
	v16 =	vadd.s32 $0x7, v0;
	v3 =	vunpack.c.0.s8.s32 v3;
	s26 =	ssub.s32 s6, s9;
	s0 =	sadd.s32 s0, s7;
	s6 =	sadd.s32 s1, s7  }
0xf: {  	v4 =	vunpack.c.0.s8.s32 v4;
	v5 =	vunpack.c.0.s8.s32 v5;
	v6 =	vunpack.c.0.s8.s32 v6;
	s7 =	sadd.s32 s5, s7;
	s9 =	simm.s32 $0x9;
	s1 =	simm.s32 $0x0  }
0x10: {  	v7 =	vunpack.c.0.s8.s32 v7;
	v8 =	vunpack.c.0.s8.s32 v8;
	v9 =	vunpack.c.0.s8.s32 v9;
	[dreg:$0x5] =	wrdreg s0;
	s8 =	smax.u32 s26, $0x1;
	s26 =	simm.s32 $0x4  }
.LBB2_1:
0x11: {  	s0 =	rddreg [dreg:$0x5]  }
0x12: {  	[tilespmem:s2], [sflag:$0x9] =	stream.linear.gather [hbm4b:s0+s2], $0x200, $0x38;
	[tilespmem:$0x8600] =	vst v63  }
0x13: {  	_ =	swait.ge [sflag:s9], $0x200  }
0x14: {  	[sflag:s9] =	ssyncset.done $0x0  }
0x15: {  	s10 =	simm.s32 $0x200;
	[sflag:s9] =	ssyncadd.s32 $0xFFFFFE00  }
0x16: {  	[tilespmem:s10], [sflag:$0x9] =	stream.linear.gather [hbm4b:s6+s2], $0x200, $0x38;
	[tilespmem:$0x8600] =	vst v63  }
0x17: {  	_ =	swait.ge [sflag:s9], $0x200  }
0x18: {  	[sflag:s9] =	ssyncset.done $0x0  }
0x19: {  	[sflag:s9] =	ssyncadd.s32 $0xFFFFFE00  }
0x1a: {  	[tilespmem:s12], [sflag:$0x1] =	stream.indirect.gather [hbm4b:s3+s11], $0x40, s2, s11, $0xb8;
	[tilespmem:$0x8600] =	vst v63  }
0x1b: {  	_ = 	snop  }
0x1c: {  	[tilespmem:s13], [sflag:$0x2] =	stream.indirect.gather [hbm4b:s4+s11], $0x40, s10, s11, $0xb8;
	[tilespmem:$0x8600] =	vst v63  }
0x1d: {  	_ = 	snop  }
0x1e: {  	[tilespmem:s14], [sflag:$0x3] =	stream.indirect.gather [hbm4b:s3+s11], $0x40, s11, s11, $0xb8;
	[tilespmem:$0x8600] =	vst v63  }
0x1f: {  	s15 =	simm.s32 $0x240  }
0x20: {  	[tilespmem:s16], [sflag:$0x4] =	stream.indirect.gather [hbm4b:s4+s11], $0x40, s15, s11, $0xb8;
	[tilespmem:$0x8600] =	vst v63  }
0x21: {  	s17 =	simm.s32 $0x80;
	s19 =	simm.s32 $0x280;
	p1 =	por $0x1, $0x1  }
0x22: {  	[tilespmem:s18], [sflag:$0x5] =	stream.indirect.gather [hbm4b:s3+s11], $0x40, s17, s11, $0xb8;
	[tilespmem:$0x8600] =	vst v63  }
0x23: {  	s5 =	simm.s32 $0x2C0;
	s0 =	simm.s32 $0x0;
	s10 =	simm.s32 $0xC0  }
0x24: {  	[tilespmem:s20], [sflag:$0x6] =	stream.indirect.gather [hbm4b:s4+s11], $0x40, s19, s11, $0xb8;
	[tilespmem:$0x8600] =	vst v63  }
.LBB2_2:
0x25: {  	[tilespmem:s21], [sflag:$0x7] =	stream.indirect.gather [hbm4b:s3+s11], $0x40, s10, s11, $0xb8;
	[tilespmem:$0x8600] =	vst v63  }
0x26: {  	_ = 	snop  }
0x27: {  	[tilespmem:s22], [sflag:$0x8] =	stream.indirect.gather [hbm4b:s4+s11], $0x40, s5, s11, $0xb8;
	[tilespmem:$0x8600] =	vst v63  }
0x28: {  	_ =	swait.ge [sflag:s23], $0x1000  }
0x29: {  	[sflag:s23] =	ssyncset.done $0x0  }
0x2a: {  	[sflag:s23] =	ssyncadd.s32 $0xFFFFF000  }
0x2b: {  	s15 =	sshra.s32 s0, $0x2;
	_ =	swait.ge [sflag:s24], $0x1000  }
0x2c: {  	p0 =	por p1, p1;
	s0 =	sadd.s32 $0x8400, s15;
	[sflag:s24] =	ssyncset.done $0x0  }
0x2d: {  	s17 =	simm.s32 $0x0;
	s19 =	simm.s32 $0x0;
	v17 =	vmov s0;
	[sflag:s24] =	ssyncadd.s32 $0xFFFFF000  }
.LBB2_3:
0x2e: {  	s0 =	sshll.u32 s19, $0x4  }
0x2f: {  	v18 =	vmov s0  }
0x30: {  	v18 =	vshll.u32 v18, $0x6  }
0x31: {  	v21 =	vor.u32 v1, v18;
	v18 =	vadd.s32 s17, v0  }
0x32: {  	v25 =	vor.u32 v2, v21;
	v18 =	vand.u32 $0x38, v18  }
0x33: {  	v18 =	vor.u32 v18, v25  }
0x34: {  	v19 =	vadd.s32 s17, v10  }
0x35: {  	v19 =	vand.u32 $0x38, v19;
	v24 =	vor.u32 v3, v21  }
0x36: {  	v19 =	vor.u32 v19, v24  }
0x37: {  	v22 =	vadd.s32 s17, v11  }
0x38: {  	v22 =	vand.u32 $0x38, v22;
	v23 =	vor.u32 v4, v21;
	v20 =	vld.idx.msk [tilespmem:v18+s12+$0x0], $0xffff  }
0x39: {  	v26 =	vor.u32 v22, v23;
	v18 =	vld.idx.msk [tilespmem:v18+s13+$0x0], $0xffff;
	_ =	sdelay $0x1  }
0x3a: {  	v27 =	vld.idx.msk [tilespmem:v19+s12+$0x0], $0xffff  }
0x3b: {  	v28 =	vld.idx.msk [tilespmem:v19+s13+$0x0], $0xffff;
	v19 =	vadd.s32 s17, v12  }
0x3c: {  	v33 =	vadd.s32 s17, v13;
	v22 =	vor.u32 v5, v21;
	v29 =	vand.u32 $0x38, v19  }
0x3d: {  	v32 =	vld.idx.msk [tilespmem:v26+s12+$0x0], $0xffff;
	v29 =	vor.u32 v29, v22;
	v30 =	vunpack.i.l.bf16.f32 v20;
	v31 =	vunpack.i.l.bf16.f32 v18  }
0x3e: {  	v57 =	vadd.s32 s17, v15;
	v26 =	vld.idx.msk [tilespmem:v26+s13+$0x0], $0xffff;
	v19 =	vor.u32 v6, v21;
	v30 =	vmul.f32 v31, v30  }
0x3f: {  	v20 =	vunpack.i.u.bf16.f32 v20;
	v18 =	vunpack.i.u.bf16.f32 v18;
	v31 =	vimm.f32 $0.0e+00  }
0x40: {  	v55 =	vunpack.i.l.bf16.f32 v28;
	v18 =	vmul.f32 v18, v20;
	v30 =	vadd.f32 v30, v31  }
0x41: {  	v28 =	vunpack.i.u.bf16.f32 v28;
	v20 =	vand.u32 $0x38, v33;
	v31 =	vunpack.i.l.bf16.f32 v27  }
0x42: {  	v34 =	vor.u32 v20, v19;
	v56 =	vld.idx.msk [tilespmem:v29+s12+$0x0], $0xffff;
	v31 =	vmul.f32 v55, v31;
	v30 =	vadd.f32 v30, v18  }
0x43: {  	v35 =	vunpack.i.l.bf16.f32 v26;
	v26 =	vunpack.i.u.bf16.f32 v26;
	v27 =	vunpack.i.u.bf16.f32 v27  }
0x44: {  	v29 =	vld.idx.msk [tilespmem:v29+s13+$0x0], $0xffff;
	v27 =	vmul.f32 v28, v27;
	v28 =	vadd.s32 s17, v14;
	v30 =	vadd.f32 v31, v30  }
0x45: {  	v20 =	vor.u32 v7, v21;
	v28 =	vand.u32 $0x38, v28;
	v31 =	vunpack.i.l.bf16.f32 v32  }
0x46: {  	v28 =	vor.u32 v28, v20;
	v27 =	vadd.f32 v30, v27;
	v30 =	vmul.f32 v35, v31  }
0x47: {  	v18 =	vor.u32 v8, v21;
	v32 =	vunpack.i.u.bf16.f32 v32;
	v58 =	vunpack.i.l.bf16.f32 v56;
	v31 =	vld.idx.msk [tilespmem:v34+s12+$0x0], $0xffff  }
0x48: {  	v26 =	vmul.f32 v26, v32;
	v34 =	vld.idx.msk [tilespmem:v34+s13+$0x0], $0xffff;
	v27 =	vadd.f32 v30, v27;
	v30 =	vand.u32 $0x38, v57  }
0x49: {  	v59 =	vunpack.i.l.bf16.f32 v29;
	v29 =	vunpack.i.u.bf16.f32 v29;
	v36 =	vor.u32 v30, v18  }
0x4a: {  	v30 =	vunpack.i.u.bf16.f32 v56;
	v26 =	vadd.f32 v27, v26;
	v27 =	vmul.f32 v59, v58  }
0x4b: {  	v60 =	vadd.s32 s17, v16;
	v33 =	vmul.f32 v29, v30;
	v29 =	vld.idx.msk [tilespmem:v28+s13+$0x0], $0xffff  }
0x4c: {  	v21 =	vor.u32 v9, v21;
	v30 =	vand.u32 $0x38, v60;
	v26 =	vadd.f32 v27, v26;
	v27 =	vld.idx.msk [tilespmem:v28+s12+$0x0], $0xffff  }
0x4d: {  	v61 =	vunpack.i.l.bf16.f32 v31;
	v62 =	vunpack.i.l.bf16.f32 v34;
	v30 =	vor.u32 v30, v21  }
0x4e: {  	s10 =	simm.s32 $0x8;
	v35 =	vmul.f32 v62, v61;
	v33 =	vadd.f32 v26, v33  }
0x4f: {  	v63 =	vadd.s32 s10, v0;
	v37 =	vunpack.i.u.bf16.f32 v31;
	v34 =	vunpack.i.u.bf16.f32 v34;
	v26 =	vld.idx.msk [tilespmem:v36+s12+$0x0], $0xffff  }
0x50: {  	s5 =	simm.s32 $0x10;
	v32 =	vand.u32 $0x38, v63;
	v28 =	vld.idx.msk [tilespmem:v36+s13+$0x0], $0xffff;
	v31 =	vadd.f32 v35, v33;
	v33 =	vmul.f32 v34, v37  }
.LBB2_4:
0x51: {  	p1 =	sne.s32 s5, $0x38;
	v32 =	vor.u32 v32, v25;
	v34 =	vunpack.i.l.bf16.f32 v27;
	v35 =	vunpack.i.l.bf16.f32 v29  }
0x52: {  	v31 =	vadd.f32 v31, v33;
	v33 =	vmul.f32 v35, v34;
	v34 =	vld.idx.msk [tilespmem:v30+s12+$0x0], $0xffff  }
0x53: {  	v27 =	vunpack.i.u.bf16.f32 v27;
	v29 =	vunpack.i.u.bf16.f32 v29;
	v35 =	vadd.s32 s10, v10;
	v30 =	vld.idx.msk [tilespmem:v30+s13+$0x0], $0xffff  }
0x54: {  	v27 =	vmul.f32 v29, v27;
	v35 =	vand.u32 $0x38, v35;
	v31 =	vadd.f32 v33, v31  }
0x55: {  	v29 =	vor.u32 v35, v24;
	v33 =	vunpack.i.l.bf16.f32 v26;
	v35 =	vunpack.i.l.bf16.f32 v28  }
0x56: {  	v36 =	vld.idx.msk [tilespmem:v32+s12+$0x0], $0xffff;
	v27 =	vadd.f32 v31, v27;
	v31 =	vmul.f32 v35, v33  }
0x57: {  	v26 =	vunpack.i.u.bf16.f32 v26;
	v28 =	vunpack.i.u.bf16.f32 v28;
	v33 =	vadd.s32 s10, v11;
	v32 =	vld.idx.msk [tilespmem:v32+s13+$0x0], $0xffff  }
0x58: {  	v26 =	vmul.f32 v28, v26;
	v33 =	vand.u32 $0x38, v33;
	v27 =	vadd.f32 v31, v27  }
0x59: {  	v28 =	vor.u32 v33, v23;
	v31 =	vunpack.i.l.bf16.f32 v34;
	v33 =	vunpack.i.l.bf16.f32 v30  }
0x5a: {  	v35 =	vld.idx.msk [tilespmem:v29+s12+$0x0], $0xffff;
	v26 =	vadd.f32 v27, v26;
	v27 =	vmul.f32 v33, v31  }
0x5b: {  	v30 =	vunpack.i.u.bf16.f32 v30;
	v31 =	vadd.s32 s10, v12;
	v33 =	vunpack.i.u.bf16.f32 v34;
	v29 =	vld.idx.msk [tilespmem:v29+s13+$0x0], $0xffff  }
0x5c: {  	v31 =	vand.u32 $0x38, v31;
	v26 =	vadd.f32 v27, v26;
	v27 =	vmul.f32 v30, v33  }
0x5d: {  	v30 =	vunpack.i.l.bf16.f32 v36;
	v33 =	vunpack.i.l.bf16.f32 v32;
	v31 =	vor.u32 v31, v22  }
0x5e: {  	v30 =	vmul.f32 v33, v30;
	v33 =	vld.idx.msk [tilespmem:v28+s12+$0x0], $0xffff;
	v26 =	vadd.f32 v26, v27  }
0x5f: {  	v34 =	vadd.s32 s10, v13;
	v32 =	vunpack.i.u.bf16.f32 v32;
	v27 =	vunpack.i.u.bf16.f32 v36;
	v28 =	vld.idx.msk [tilespmem:v28+s13+$0x0], $0xffff  }
0x60: {  	v27 =	vmul.f32 v32, v27;
	v26 =	vadd.f32 v30, v26;
	v30 =	vand.u32 $0x38, v34  }
0x61: {  	v32 =	vunpack.i.l.bf16.f32 v35;
	v34 =	vunpack.i.l.bf16.f32 v29;
	v30 =	vor.u32 v30, v19  }
0x62: {  	v26 =	vadd.f32 v26, v27;
	v27 =	vmul.f32 v34, v32;
	v32 =	vld.idx.msk [tilespmem:v31+s12+$0x0], $0xffff  }
0x63: {  	v29 =	vunpack.i.u.bf16.f32 v29;
	v34 =	vunpack.i.u.bf16.f32 v35;
	v35 =	vadd.s32 s10, v14;
	v31 =	vld.idx.msk [tilespmem:v31+s13+$0x0], $0xffff  }
0x64: {  	v26 =	vadd.f32 v27, v26;
	v27 =	vmul.f32 v29, v34;
	v29 =	vand.u32 $0x38, v35  }
0x65: {  	v34 =	vunpack.i.l.bf16.f32 v33;
	v35 =	vunpack.i.l.bf16.f32 v28;
	v29 =	vor.u32 v29, v20  }
0x66: {  	v26 =	vadd.f32 v26, v27;
	v27 =	vmul.f32 v35, v34;
	v34 =	vld.idx.msk [tilespmem:v30+s12+$0x0], $0xffff  }
0x67: {  	v33 =	vunpack.i.u.bf16.f32 v33;
	v28 =	vunpack.i.u.bf16.f32 v28;
	v35 =	vld.idx.msk [tilespmem:v30+s13+$0x0], $0xffff;
	v30 =	vadd.s32 s10, v15  }
0x68: {  	v26 =	vadd.f32 v27, v26;
	v27 =	vmul.f32 v28, v33;
	v28 =	vand.u32 $0x38, v30  }
0x69: {  	v30 =	vunpack.i.l.bf16.f32 v32;
	v33 =	vunpack.i.l.bf16.f32 v31;
	v28 =	vor.u32 v28, v18  }
0x6a: {  	v30 =	vmul.f32 v33, v30;
	v26 =	vadd.f32 v26, v27;
	v27 =	vld.idx.msk [tilespmem:v29+s12+$0x0], $0xffff  }
0x6b: {  	v32 =	vunpack.i.u.bf16.f32 v32;
	v31 =	vunpack.i.u.bf16.f32 v31;
	v33 =	vadd.s32 s10, v16;
	s10 =	smov.u32 s5;
	v29 =	vld.idx.msk [tilespmem:v29+s13+$0x0], $0xffff  }
.Ltmp0:
0x6c: {  	v31 =	vmul.f32 v31, v32;
	v26 =	vadd.f32 v30, v26;
	v30 =	vand.u32 $0x38, v33;
	(pc) =	sbr.rel @p1 .LBB2_4-.Ltmp0, $4  }
0x6d: {  	v32 =	vunpack.i.l.bf16.f32 v34;
	v33 =	vunpack.i.l.bf16.f32 v35;
	v30 =	vor.u32 v30, v21  }
0x6e: {  	v33 =	vmul.f32 v33, v32;
	v31 =	vadd.f32 v26, v31;
	v26 =	vld.idx.msk [tilespmem:v28+s12+$0x0], $0xffff  }
0x6f: {  	v34 =	vunpack.i.u.bf16.f32 v34;
	v35 =	vunpack.i.u.bf16.f32 v35;
	v32 =	vadd.s32 s5, v0;
	v28 =	vld.idx.msk [tilespmem:v28+s13+$0x0], $0xffff  }
0x70: {  	s5 =	sadd.s32 $0x8, s5;
	v32 =	vand.u32 $0x38, v32;
	v31 =	vadd.f32 v33, v31;
	v33 =	vmul.f32 v35, v34  }
0x71: {  	_ =	sdelay $0x1  }
0x72: {  	v34 =	vunpack.i.l.bf16.f32 v27;
	v35 =	vunpack.i.l.bf16.f32 v29  }
0x73: {  	v25 =	vor.u32 v32, v25;
	v31 =	vadd.f32 v31, v33;
	v59 =	vmul.f32 v35, v34  }
0x74: {  	v60 =	vld.idx.msk [tilespmem:v30+s12+$0x0], $0xffff;
	v61 =	vunpack.i.u.bf16.f32 v27;
	v62 =	vunpack.i.u.bf16.f32 v29  }
0x75: {  	v63 =	vadd.s32 s10, v10;
	v36 =	vld.idx.msk [tilespmem:v30+s13+$0x0], $0xffff;
	v27 =	vmul.f32 v62, v61;
	v31 =	vadd.f32 v59, v31  }
0x76: {  	v37 =	vand.u32 $0x38, v63;
	v38 =	vunpack.i.l.bf16.f32 v26;
	v39 =	vunpack.i.l.bf16.f32 v28  }
0x77: {  	v24 =	vor.u32 v37, v24;
	v40 =	vmul.f32 v39, v38;
	v27 =	vadd.f32 v31, v27  }
0x78: {  	v42 =	vunpack.i.u.bf16.f32 v26;
	v43 =	vunpack.i.u.bf16.f32 v28;
	v41 =	vld.idx.msk [tilespmem:v25+s12+$0x0], $0xffff  }
0x79: {  	v44 =	vadd.s32 s10, v11;
	v26 =	vmul.f32 v43, v42;
	v25 =	vld.idx.msk [tilespmem:v25+s13+$0x0], $0xffff;
	v27 =	vadd.f32 v40, v27  }
0x7a: {  	v45 =	vand.u32 $0x38, v44;
	v46 =	vunpack.i.l.bf16.f32 v60;
	v47 =	vunpack.i.l.bf16.f32 v36  }
0x7b: {  	v23 =	vor.u32 v45, v23;
	v48 =	vmul.f32 v47, v46;
	v26 =	vadd.f32 v27, v26  }
0x7c: {  	v50 =	vunpack.i.u.bf16.f32 v60;
	v30 =	vunpack.i.u.bf16.f32 v36;
	v49 =	vld.idx.msk [tilespmem:v24+s12+$0x0], $0xffff  }
0x7d: {  	v51 =	vadd.s32 s10, v12;
	v52 =	vmul.f32 v30, v50;
	v24 =	vld.idx.msk [tilespmem:v24+s13+$0x0], $0xffff;
	v26 =	vadd.f32 v48, v26  }
0x7e: {  	v53 =	vand.u32 $0x38, v51;
	v54 =	vunpack.i.l.bf16.f32 v41;
	v55 =	vunpack.i.l.bf16.f32 v25  }
0x7f: {  	v22 =	vor.u32 v53, v22;
	v56 =	vmul.f32 v55, v54;
	v26 =	vadd.f32 v26, v52  }
0x80: {  	v57 =	vld.idx.msk [tilespmem:v23+s12+$0x0], $0xffff;
	v58 =	vunpack.i.u.bf16.f32 v41;
	v25 =	vunpack.i.u.bf16.f32 v25  }
0x81: {  	v59 =	vadd.s32 s10, v13;
	v23 =	vld.idx.msk [tilespmem:v23+s13+$0x0], $0xffff;
	v25 =	vmul.f32 v25, v58;
	v26 =	vadd.f32 v56, v26  }
0x82: {  	v60 =	vand.u32 $0x38, v59;
	v61 =	vunpack.i.l.bf16.f32 v49;
	v62 =	vunpack.i.l.bf16.f32 v24  }
0x83: {  	v19 =	vor.u32 v60, v19;
	v63 =	vmul.f32 v62, v61;
	v25 =	vadd.f32 v26, v25  }
0x84: {  	v33 =	vld.idx.msk [tilespmem:v22+s12+$0x0], $0xffff;
	v28 =	vunpack.i.u.bf16.f32 v49;
	v24 =	vunpack.i.u.bf16.f32 v24  }
0x85: {  	v34 =	vadd.s32 s10, v14;
	v22 =	vld.idx.msk [tilespmem:v22+s13+$0x0], $0xffff;
	v24 =	vmul.f32 v24, v28;
	v25 =	vadd.f32 v63, v25  }
0x86: {  	v35 =	vand.u32 $0x38, v34;
	v36 =	vunpack.i.l.bf16.f32 v57;
	v37 =	vunpack.i.l.bf16.f32 v23  }
0x87: {  	v20 =	vor.u32 v35, v20;
	v38 =	vmul.f32 v37, v36;
	v24 =	vadd.f32 v25, v24  }
0x88: {  	v39 =	vld.idx.msk [tilespmem:v19+s12+$0x0], $0xffff;
	v27 =	vunpack.i.u.bf16.f32 v57;
	v23 =	vunpack.i.u.bf16.f32 v23  }
0x89: {  	v40 =	vadd.s32 s10, v15;
	v19 =	vld.idx.msk [tilespmem:v19+s13+$0x0], $0xffff;
	v23 =	vmul.f32 v23, v27;
	v24 =	vadd.f32 v38, v24  }
0x8a: {  	v41 =	vand.u32 $0x38, v40;
	v42 =	vunpack.i.l.bf16.f32 v33;
	v43 =	vunpack.i.l.bf16.f32 v22  }
0x8b: {  	v18 =	vor.u32 v41, v18;
	v44 =	vmul.f32 v43, v42;
	v23 =	vadd.f32 v24, v23  }
0x8c: {  	v45 =	vld.idx.msk [tilespmem:v20+s12+$0x0], $0xffff;
	v46 =	vunpack.i.u.bf16.f32 v33;
	v22 =	vunpack.i.u.bf16.f32 v22  }
0x8d: {  	v47 =	vadd.s32 s10, v16;
	v20 =	vld.idx.msk [tilespmem:v20+s13+$0x0], $0xffff;
	v22 =	vmul.f32 v22, v46;
	v23 =	vadd.f32 v44, v23  }
0x8e: {  	v48 =	vand.u32 $0x38, v47;
	v49 =	vunpack.i.l.bf16.f32 v39;
	v50 =	vunpack.i.l.bf16.f32 v19  }
0x8f: {  	v21 =	vor.u32 v48, v21;
	v51 =	vmul.f32 v50, v49;
	v22 =	vadd.f32 v23, v22  }
0x90: {  	v52 =	vld.idx.msk [tilespmem:v18+s12+$0x0], $0xffff;
	v19 =	vunpack.i.u.bf16.f32 v19;
	v26 =	vunpack.i.u.bf16.f32 v39  }
0x91: {  	v18 =	vld.idx.msk [tilespmem:v18+s13+$0x0], $0xffff;
	v19 =	vmul.f32 v19, v26;
	v22 =	vadd.f32 v51, v22  }
0x92: {  	v53 =	vunpack.i.l.bf16.f32 v45;
	v54 =	vunpack.i.l.bf16.f32 v20  }
0x93: {  	v55 =	vmul.f32 v54, v53;
	v19 =	vadd.f32 v22, v19  }
0x94: {  	v20 =	vunpack.i.u.bf16.f32 v20;
	v56 =	vld.idx.msk [tilespmem:v21+s12+$0x0], $0xffff;
	v25 =	vunpack.i.u.bf16.f32 v45  }
0x95: {  	v21 =	vld.idx.msk [tilespmem:v21+s13+$0x0], $0xffff;
	v20 =	vmul.f32 v20, v25;
	v19 =	vadd.f32 v55, v19  }
0x96: {  	v57 =	vunpack.i.l.bf16.f32 v52;
	v58 =	vunpack.i.l.bf16.f32 v18  }
0x97: {  	v59 =	vmul.f32 v58, v57;
	v19 =	vadd.f32 v19, v20  }
0x98: {  	v60 =	vunpack.i.u.bf16.f32 v52;
	v18 =	vunpack.i.u.bf16.f32 v18  }
0x99: {  	v18 =	vmul.f32 v18, v60;
	v19 =	vadd.f32 v59, v19  }
0x9a: {  	v61 =	vunpack.i.l.bf16.f32 v56;
	v62 =	vunpack.i.l.bf16.f32 v21  }
0x9b: {  	v18 =	vadd.f32 v19, v18;
	v19 =	vmul.f32 v62, v61  }
0x9c: {  	v63 =	vunpack.i.u.bf16.f32 v56;
	v21 =	vunpack.i.u.bf16.f32 v21  }
0x9d: {  	v18 =	vadd.f32 v19, v18;
	v19 =	vmul.f32 v21, v63;
	_ =	sdelay $0x1  }
0x9e: {  	v18 =	vadd.f32 v18, v19;
	_ =	sdelay $0x1  }
0x9f: {  	v18 =	vsub.f32 $0.0e+00, v18;
	_ =	sdelay $0x1  }
0xa0: {  	v18 =	vmul.f32 $1.442695020e+00, v18;
	_ =	sdelay $0x1  }
0xa1: {  	(erf) = vpow2.f32 v18;
	_ =	sdelay $0x8  }
0xa2: {  	v18 =	vpop (erf)  }
0xa3: {  	v18 =	vadd.f32 $1.000000000e+00, v18;
	_ =	sdelay $0x1  }
0xa4: {  	(erf) = vrcp.f32 v18;
	_ =	sdelay $0x3  }
0xa5: {  	s19 =	sadd.s32 $0x1, s19  }
0xa6: {  	p1 =	sne.s32 s19, $0x4  }
.Ltmp1:
0xa7: {  	_ = 	snop;
	(pc) =	sbr.rel @p1 .LBB2_3-.Ltmp1, $3  }
0xa8: {  	_ =	sdelay $0x1  }
0xa9: {  	v18 =	vpop (erf)  }
0xaa: {  	[tilespmem:v17+s0+$0x0 ss:$0x1] =	vst.idx.msk $0xffff, v18  }
0xab: {  	s0 =	simm.s32 @p0 $0x40;
	s5 =	simm.s32 @p0 $0x100;
	s10 =	simm.s32 @p0 $0x400  }
0xac: {  	[tilespmem:s10], [sflag:$0x1] =	stream.indirect.gather @p0 [hbm4b:s3+s0], $0x40, s5, s0, $0xb8;
	[tilespmem:$0x8600] =	vst v63  }
0xad: {  	s5 =	simm.s32 @p0 $0x300;
	s10 =	simm.s32 @p0 $0x4400  }
0xae: {  	[tilespmem:s10], [sflag:$0x2] =	stream.indirect.gather @p0 [hbm4b:s4+s0], $0x40, s5, s0, $0xb8;
	[tilespmem:$0x8600] =	vst v63  }
0xaf: {  	_ =	swait.ge [sflag:s25], $0x1000  }
0xb0: {  	[sflag:s25] =	ssyncset.done $0x0  }
0xb1: {  	[sflag:s25] =	ssyncadd.s32 $0xFFFFF000  }
0xb2: {  	_ =	swait.ge [sflag:s26], $0x1000  }
0xb3: {  	s19 =	sadd.s32 $0x8440, s15;
	[sflag:s26] =	ssyncset.done $0x0  }
0xb4: {  	s17 =	simm.s32 $0x0;
	v17 =	vmov s19;
	s19 =	simm.s32 $0x0;
	[sflag:s26] =	ssyncadd.s32 $0xFFFFF000  }
.LBB2_7:
0xb5: {  	s0 =	sshll.u32 s19, $0x4  }
0xb6: {  	v18 =	vmov s0  }
0xb7: {  	v18 =	vshll.u32 v18, $0x6  }
0xb8: {  	v21 =	vor.u32 v1, v18;
	v18 =	vadd.s32 s17, v0  }
0xb9: {  	v25 =	vor.u32 v2, v21;
	v18 =	vand.u32 $0x38, v18  }
0xba: {  	v18 =	vor.u32 v18, v25  }
0xbb: {  	v19 =	vadd.s32 s17, v10  }
0xbc: {  	v19 =	vand.u32 $0x38, v19;
	v24 =	vor.u32 v3, v21  }
0xbd: {  	v19 =	vor.u32 v19, v24  }
0xbe: {  	v22 =	vadd.s32 s17, v11  }
0xbf: {  	v22 =	vand.u32 $0x38, v22;
	v23 =	vor.u32 v4, v21;
	v20 =	vld.idx.msk [tilespmem:v18+s14+$0x0], $0xffff  }
0xc0: {  	v26 =	vor.u32 v22, v23;
	v18 =	vld.idx.msk [tilespmem:v18+s16+$0x0], $0xffff;
	_ =	sdelay $0x1  }
0xc1: {  	v27 =	vld.idx.msk [tilespmem:v19+s14+$0x0], $0xffff  }
0xc2: {  	v28 =	vld.idx.msk [tilespmem:v19+s16+$0x0], $0xffff;
	v19 =	vadd.s32 s17, v12  }
0xc3: {  	v33 =	vadd.s32 s17, v13;
	v22 =	vor.u32 v5, v21;
	v29 =	vand.u32 $0x38, v19  }
0xc4: {  	v32 =	vld.idx.msk [tilespmem:v26+s14+$0x0], $0xffff;
	v29 =	vor.u32 v29, v22;
	v30 =	vunpack.i.l.bf16.f32 v20;
	v31 =	vunpack.i.l.bf16.f32 v18  }
0xc5: {  	v57 =	vadd.s32 s17, v15;
	v26 =	vld.idx.msk [tilespmem:v26+s16+$0x0], $0xffff;
	v19 =	vor.u32 v6, v21;
	v30 =	vmul.f32 v31, v30  }
0xc6: {  	v20 =	vunpack.i.u.bf16.f32 v20;
	v18 =	vunpack.i.u.bf16.f32 v18;
	v31 =	vimm.f32 $0.0e+00  }
0xc7: {  	v55 =	vunpack.i.l.bf16.f32 v28;
	v18 =	vmul.f32 v18, v20;
	v30 =	vadd.f32 v30, v31  }
0xc8: {  	v28 =	vunpack.i.u.bf16.f32 v28;
	v20 =	vand.u32 $0x38, v33;
	v31 =	vunpack.i.l.bf16.f32 v27  }
0xc9: {  	v34 =	vor.u32 v20, v19;
	v56 =	vld.idx.msk [tilespmem:v29+s14+$0x0], $0xffff;
	v31 =	vmul.f32 v55, v31;
	v30 =	vadd.f32 v30, v18  }
0xca: {  	v35 =	vunpack.i.l.bf16.f32 v26;
	v26 =	vunpack.i.u.bf16.f32 v26;
	v27 =	vunpack.i.u.bf16.f32 v27  }
0xcb: {  	v29 =	vld.idx.msk [tilespmem:v29+s16+$0x0], $0xffff;
	v27 =	vmul.f32 v28, v27;
	v28 =	vadd.s32 s17, v14;
	v30 =	vadd.f32 v31, v30  }
0xcc: {  	v20 =	vor.u32 v7, v21;
	v28 =	vand.u32 $0x38, v28;
	v31 =	vunpack.i.l.bf16.f32 v32  }
0xcd: {  	v28 =	vor.u32 v28, v20;
	v27 =	vadd.f32 v30, v27;
	v30 =	vmul.f32 v35, v31  }
0xce: {  	v18 =	vor.u32 v8, v21;
	v32 =	vunpack.i.u.bf16.f32 v32;
	v58 =	vunpack.i.l.bf16.f32 v56;
	v31 =	vld.idx.msk [tilespmem:v34+s14+$0x0], $0xffff  }
0xcf: {  	v26 =	vmul.f32 v26, v32;
	v34 =	vld.idx.msk [tilespmem:v34+s16+$0x0], $0xffff;
	v27 =	vadd.f32 v30, v27;
	v30 =	vand.u32 $0x38, v57  }
0xd0: {  	v59 =	vunpack.i.l.bf16.f32 v29;
	v29 =	vunpack.i.u.bf16.f32 v29;
	v36 =	vor.u32 v30, v18  }
0xd1: {  	v30 =	vunpack.i.u.bf16.f32 v56;
	v26 =	vadd.f32 v27, v26;
	v27 =	vmul.f32 v59, v58  }
0xd2: {  	v60 =	vadd.s32 s17, v16;
	v33 =	vmul.f32 v29, v30;
	v29 =	vld.idx.msk [tilespmem:v28+s16+$0x0], $0xffff  }
0xd3: {  	v21 =	vor.u32 v9, v21;
	v30 =	vand.u32 $0x38, v60;
	v26 =	vadd.f32 v27, v26;
	v27 =	vld.idx.msk [tilespmem:v28+s14+$0x0], $0xffff  }
0xd4: {  	v61 =	vunpack.i.l.bf16.f32 v31;
	v62 =	vunpack.i.l.bf16.f32 v34;
	v30 =	vor.u32 v30, v21  }
0xd5: {  	s10 =	simm.s32 $0x8;
	v35 =	vmul.f32 v62, v61;
	v33 =	vadd.f32 v26, v33  }
0xd6: {  	v63 =	vadd.s32 s10, v0;
	v37 =	vunpack.i.u.bf16.f32 v31;
	v34 =	vunpack.i.u.bf16.f32 v34;
	v26 =	vld.idx.msk [tilespmem:v36+s14+$0x0], $0xffff  }
0xd7: {  	s5 =	simm.s32 $0x10;
	v32 =	vand.u32 $0x38, v63;
	v28 =	vld.idx.msk [tilespmem:v36+s16+$0x0], $0xffff;
	v31 =	vadd.f32 v35, v33;
	v33 =	vmul.f32 v34, v37  }
.LBB2_8:
0xd8: {  	p1 =	sne.s32 s5, $0x38;
	v32 =	vor.u32 v32, v25;
	v34 =	vunpack.i.l.bf16.f32 v27;
	v35 =	vunpack.i.l.bf16.f32 v29  }
0xd9: {  	v31 =	vadd.f32 v31, v33;
	v33 =	vmul.f32 v35, v34;
	v34 =	vld.idx.msk [tilespmem:v30+s14+$0x0], $0xffff  }
0xda: {  	v27 =	vunpack.i.u.bf16.f32 v27;
	v29 =	vunpack.i.u.bf16.f32 v29;
	v35 =	vadd.s32 s10, v10;
	v30 =	vld.idx.msk [tilespmem:v30+s16+$0x0], $0xffff  }
0xdb: {  	v27 =	vmul.f32 v29, v27;
	v35 =	vand.u32 $0x38, v35;
	v31 =	vadd.f32 v33, v31  }
0xdc: {  	v29 =	vor.u32 v35, v24;
	v33 =	vunpack.i.l.bf16.f32 v26;
	v35 =	vunpack.i.l.bf16.f32 v28  }
0xdd: {  	v36 =	vld.idx.msk [tilespmem:v32+s14+$0x0], $0xffff;
	v27 =	vadd.f32 v31, v27;
	v31 =	vmul.f32 v35, v33  }
0xde: {  	v26 =	vunpack.i.u.bf16.f32 v26;
	v28 =	vunpack.i.u.bf16.f32 v28;
	v33 =	vadd.s32 s10, v11;
	v32 =	vld.idx.msk [tilespmem:v32+s16+$0x0], $0xffff  }
0xdf: {  	v26 =	vmul.f32 v28, v26;
	v33 =	vand.u32 $0x38, v33;
	v27 =	vadd.f32 v31, v27  }
0xe0: {  	v28 =	vor.u32 v33, v23;
	v31 =	vunpack.i.l.bf16.f32 v34;
	v33 =	vunpack.i.l.bf16.f32 v30  }
0xe1: {  	v35 =	vld.idx.msk [tilespmem:v29+s14+$0x0], $0xffff;
	v26 =	vadd.f32 v27, v26;
	v27 =	vmul.f32 v33, v31  }
0xe2: {  	v30 =	vunpack.i.u.bf16.f32 v30;
	v31 =	vadd.s32 s10, v12;
	v33 =	vunpack.i.u.bf16.f32 v34;
	v29 =	vld.idx.msk [tilespmem:v29+s16+$0x0], $0xffff  }
0xe3: {  	v31 =	vand.u32 $0x38, v31;
	v26 =	vadd.f32 v27, v26;
	v27 =	vmul.f32 v30, v33  }
0xe4: {  	v30 =	vunpack.i.l.bf16.f32 v36;
	v33 =	vunpack.i.l.bf16.f32 v32;
	v31 =	vor.u32 v31, v22  }
0xe5: {  	v30 =	vmul.f32 v33, v30;
	v33 =	vld.idx.msk [tilespmem:v28+s14+$0x0], $0xffff;
	v26 =	vadd.f32 v26, v27  }
0xe6: {  	v34 =	vadd.s32 s10, v13;
	v32 =	vunpack.i.u.bf16.f32 v32;
	v27 =	vunpack.i.u.bf16.f32 v36;
	v28 =	vld.idx.msk [tilespmem:v28+s16+$0x0], $0xffff  }
0xe7: {  	v27 =	vmul.f32 v32, v27;
	v26 =	vadd.f32 v30, v26;
	v30 =	vand.u32 $0x38, v34  }
0xe8: {  	v32 =	vunpack.i.l.bf16.f32 v35;
	v34 =	vunpack.i.l.bf16.f32 v29;
	v30 =	vor.u32 v30, v19  }
0xe9: {  	v26 =	vadd.f32 v26, v27;
	v27 =	vmul.f32 v34, v32;
	v32 =	vld.idx.msk [tilespmem:v31+s14+$0x0], $0xffff  }
0xea: {  	v29 =	vunpack.i.u.bf16.f32 v29;
	v34 =	vunpack.i.u.bf16.f32 v35;
	v35 =	vadd.s32 s10, v14;
	v31 =	vld.idx.msk [tilespmem:v31+s16+$0x0], $0xffff  }
0xeb: {  	v26 =	vadd.f32 v27, v26;
	v27 =	vmul.f32 v29, v34;
	v29 =	vand.u32 $0x38, v35  }
0xec: {  	v34 =	vunpack.i.l.bf16.f32 v33;
	v35 =	vunpack.i.l.bf16.f32 v28;
	v29 =	vor.u32 v29, v20  }
0xed: {  	v26 =	vadd.f32 v26, v27;
	v27 =	vmul.f32 v35, v34;
	v34 =	vld.idx.msk [tilespmem:v30+s14+$0x0], $0xffff  }
0xee: {  	v33 =	vunpack.i.u.bf16.f32 v33;
	v28 =	vunpack.i.u.bf16.f32 v28;
	v35 =	vld.idx.msk [tilespmem:v30+s16+$0x0], $0xffff;
	v30 =	vadd.s32 s10, v15  }
0xef: {  	v26 =	vadd.f32 v27, v26;
	v27 =	vmul.f32 v28, v33;
	v28 =	vand.u32 $0x38, v30  }
0xf0: {  	v30 =	vunpack.i.l.bf16.f32 v32;
	v33 =	vunpack.i.l.bf16.f32 v31;
	v28 =	vor.u32 v28, v18  }
0xf1: {  	v30 =	vmul.f32 v33, v30;
	v26 =	vadd.f32 v26, v27;
	v27 =	vld.idx.msk [tilespmem:v29+s14+$0x0], $0xffff  }
0xf2: {  	v32 =	vunpack.i.u.bf16.f32 v32;
	v31 =	vunpack.i.u.bf16.f32 v31;
	v33 =	vadd.s32 s10, v16;
	s10 =	smov.u32 s5;
	v29 =	vld.idx.msk [tilespmem:v29+s16+$0x0], $0xffff  }
.Ltmp2:
0xf3: {  	v31 =	vmul.f32 v31, v32;
	v26 =	vadd.f32 v30, v26;
	v30 =	vand.u32 $0x38, v33;
	(pc) =	sbr.rel @p1 .LBB2_8-.Ltmp2, $4  }
0xf4: {  	v32 =	vunpack.i.l.bf16.f32 v34;
	v33 =	vunpack.i.l.bf16.f32 v35;
	v30 =	vor.u32 v30, v21  }
0xf5: {  	v33 =	vmul.f32 v33, v32;
	v31 =	vadd.f32 v26, v31;
	v26 =	vld.idx.msk [tilespmem:v28+s14+$0x0], $0xffff  }
0xf6: {  	v34 =	vunpack.i.u.bf16.f32 v34;
	v35 =	vunpack.i.u.bf16.f32 v35;
	v32 =	vadd.s32 s5, v0;
	v28 =	vld.idx.msk [tilespmem:v28+s16+$0x0], $0xffff  }
0xf7: {  	s5 =	sadd.s32 $0x8, s5;
	v32 =	vand.u32 $0x38, v32;
	v31 =	vadd.f32 v33, v31;
	v33 =	vmul.f32 v35, v34  }
0xf8: {  	_ =	sdelay $0x1  }
0xf9: {  	v34 =	vunpack.i.l.bf16.f32 v27;
	v35 =	vunpack.i.l.bf16.f32 v29  }
0xfa: {  	v25 =	vor.u32 v32, v25;
	v31 =	vadd.f32 v31, v33;
	v59 =	vmul.f32 v35, v34  }
0xfb: {  	v60 =	vld.idx.msk [tilespmem:v30+s14+$0x0], $0xffff;
	v61 =	vunpack.i.u.bf16.f32 v27;
	v62 =	vunpack.i.u.bf16.f32 v29  }
0xfc: {  	v63 =	vadd.s32 s10, v10;
	v36 =	vld.idx.msk [tilespmem:v30+s16+$0x0], $0xffff;
	v27 =	vmul.f32 v62, v61;
	v31 =	vadd.f32 v59, v31  }
0xfd: {  	v37 =	vand.u32 $0x38, v63;
	v38 =	vunpack.i.l.bf16.f32 v26;
	v39 =	vunpack.i.l.bf16.f32 v28  }
0xfe: {  	v24 =	vor.u32 v37, v24;
	v40 =	vmul.f32 v39, v38;
	v27 =	vadd.f32 v31, v27  }
0xff: {  	v42 =	vunpack.i.u.bf16.f32 v26;
	v43 =	vunpack.i.u.bf16.f32 v28;
	v41 =	vld.idx.msk [tilespmem:v25+s14+$0x0], $0xffff  }
0x100: {  	v44 =	vadd.s32 s10, v11;
	v26 =	vmul.f32 v43, v42;
	v25 =	vld.idx.msk [tilespmem:v25+s16+$0x0], $0xffff;
	v27 =	vadd.f32 v40, v27  }
0x101: {  	v45 =	vand.u32 $0x38, v44;
	v46 =	vunpack.i.l.bf16.f32 v60;
	v47 =	vunpack.i.l.bf16.f32 v36  }
0x102: {  	v23 =	vor.u32 v45, v23;
	v48 =	vmul.f32 v47, v46;
	v26 =	vadd.f32 v27, v26  }
0x103: {  	v50 =	vunpack.i.u.bf16.f32 v60;
	v30 =	vunpack.i.u.bf16.f32 v36;
	v49 =	vld.idx.msk [tilespmem:v24+s14+$0x0], $0xffff  }
0x104: {  	v51 =	vadd.s32 s10, v12;
	v52 =	vmul.f32 v30, v50;
	v24 =	vld.idx.msk [tilespmem:v24+s16+$0x0], $0xffff;
	v26 =	vadd.f32 v48, v26  }
0x105: {  	v53 =	vand.u32 $0x38, v51;
	v54 =	vunpack.i.l.bf16.f32 v41;
	v55 =	vunpack.i.l.bf16.f32 v25  }
0x106: {  	v22 =	vor.u32 v53, v22;
	v56 =	vmul.f32 v55, v54;
	v26 =	vadd.f32 v26, v52  }
0x107: {  	v57 =	vld.idx.msk [tilespmem:v23+s14+$0x0], $0xffff;
	v58 =	vunpack.i.u.bf16.f32 v41;
	v25 =	vunpack.i.u.bf16.f32 v25  }
0x108: {  	v59 =	vadd.s32 s10, v13;
	v23 =	vld.idx.msk [tilespmem:v23+s16+$0x0], $0xffff;
	v25 =	vmul.f32 v25, v58;
	v26 =	vadd.f32 v56, v26  }
0x109: {  	v60 =	vand.u32 $0x38, v59;
	v61 =	vunpack.i.l.bf16.f32 v49;
	v62 =	vunpack.i.l.bf16.f32 v24  }
0x10a: {  	v19 =	vor.u32 v60, v19;
	v63 =	vmul.f32 v62, v61;
	v25 =	vadd.f32 v26, v25  }
0x10b: {  	v33 =	vld.idx.msk [tilespmem:v22+s14+$0x0], $0xffff;
	v28 =	vunpack.i.u.bf16.f32 v49;
	v24 =	vunpack.i.u.bf16.f32 v24  }
0x10c: {  	v34 =	vadd.s32 s10, v14;
	v22 =	vld.idx.msk [tilespmem:v22+s16+$0x0], $0xffff;
	v24 =	vmul.f32 v24, v28;
	v25 =	vadd.f32 v63, v25  }
0x10d: {  	v35 =	vand.u32 $0x38, v34;
	v36 =	vunpack.i.l.bf16.f32 v57;
	v37 =	vunpack.i.l.bf16.f32 v23  }
0x10e: {  	v20 =	vor.u32 v35, v20;
	v38 =	vmul.f32 v37, v36;
	v24 =	vadd.f32 v25, v24  }
0x10f: {  	v39 =	vld.idx.msk [tilespmem:v19+s14+$0x0], $0xffff;
	v27 =	vunpack.i.u.bf16.f32 v57;
	v23 =	vunpack.i.u.bf16.f32 v23  }
0x110: {  	v40 =	vadd.s32 s10, v15;
	v19 =	vld.idx.msk [tilespmem:v19+s16+$0x0], $0xffff;
	v23 =	vmul.f32 v23, v27;
	v24 =	vadd.f32 v38, v24  }
0x111: {  	v41 =	vand.u32 $0x38, v40;
	v42 =	vunpack.i.l.bf16.f32 v33;
	v43 =	vunpack.i.l.bf16.f32 v22  }
0x112: {  	v18 =	vor.u32 v41, v18;
	v44 =	vmul.f32 v43, v42;
	v23 =	vadd.f32 v24, v23  }
0x113: {  	v45 =	vld.idx.msk [tilespmem:v20+s14+$0x0], $0xffff;
	v46 =	vunpack.i.u.bf16.f32 v33;
	v22 =	vunpack.i.u.bf16.f32 v22  }
0x114: {  	v47 =	vadd.s32 s10, v16;
	v20 =	vld.idx.msk [tilespmem:v20+s16+$0x0], $0xffff;
	v22 =	vmul.f32 v22, v46;
	v23 =	vadd.f32 v44, v23  }
0x115: {  	v48 =	vand.u32 $0x38, v47;
	v49 =	vunpack.i.l.bf16.f32 v39;
	v50 =	vunpack.i.l.bf16.f32 v19  }
0x116: {  	v21 =	vor.u32 v48, v21;
	v51 =	vmul.f32 v50, v49;
	v22 =	vadd.f32 v23, v22  }
0x117: {  	v52 =	vld.idx.msk [tilespmem:v18+s14+$0x0], $0xffff;
	v19 =	vunpack.i.u.bf16.f32 v19;
	v26 =	vunpack.i.u.bf16.f32 v39  }
0x118: {  	v18 =	vld.idx.msk [tilespmem:v18+s16+$0x0], $0xffff;
	v19 =	vmul.f32 v19, v26;
	v22 =	vadd.f32 v51, v22  }
0x119: {  	v53 =	vunpack.i.l.bf16.f32 v45;
	v54 =	vunpack.i.l.bf16.f32 v20  }
0x11a: {  	v55 =	vmul.f32 v54, v53;
	v19 =	vadd.f32 v22, v19  }
0x11b: {  	v20 =	vunpack.i.u.bf16.f32 v20;
	v56 =	vld.idx.msk [tilespmem:v21+s14+$0x0], $0xffff;
	v25 =	vunpack.i.u.bf16.f32 v45  }
0x11c: {  	v21 =	vld.idx.msk [tilespmem:v21+s16+$0x0], $0xffff;
	v20 =	vmul.f32 v20, v25;
	v19 =	vadd.f32 v55, v19  }
0x11d: {  	v57 =	vunpack.i.l.bf16.f32 v52;
	v58 =	vunpack.i.l.bf16.f32 v18  }
0x11e: {  	v59 =	vmul.f32 v58, v57;
	v19 =	vadd.f32 v19, v20  }
0x11f: {  	v60 =	vunpack.i.u.bf16.f32 v52;
	v18 =	vunpack.i.u.bf16.f32 v18  }
0x120: {  	v18 =	vmul.f32 v18, v60;
	v19 =	vadd.f32 v59, v19  }
0x121: {  	v61 =	vunpack.i.l.bf16.f32 v56;
	v62 =	vunpack.i.l.bf16.f32 v21  }
0x122: {  	v18 =	vadd.f32 v19, v18;
	v19 =	vmul.f32 v62, v61  }
0x123: {  	v63 =	vunpack.i.u.bf16.f32 v56;
	v21 =	vunpack.i.u.bf16.f32 v21  }
0x124: {  	v18 =	vadd.f32 v19, v18;
	v19 =	vmul.f32 v21, v63;
	_ =	sdelay $0x1  }
0x125: {  	v18 =	vadd.f32 v18, v19;
	_ =	sdelay $0x1  }
0x126: {  	v18 =	vsub.f32 $0.0e+00, v18;
	_ =	sdelay $0x1  }
0x127: {  	v18 =	vmul.f32 $1.442695020e+00, v18;
	_ =	sdelay $0x1  }
0x128: {  	(erf) = vpow2.f32 v18;
	_ =	sdelay $0x8  }
0x129: {  	v18 =	vpop (erf)  }
0x12a: {  	v18 =	vadd.f32 $1.000000000e+00, v18;
	_ =	sdelay $0x1  }
0x12b: {  	(erf) = vrcp.f32 v18;
	_ =	sdelay $0x3  }
0x12c: {  	s19 =	sadd.s32 $0x1, s19  }
0x12d: {  	p1 =	sne.s32 s19, $0x4  }
.Ltmp3:
0x12e: {  	_ = 	snop;
	(pc) =	sbr.rel @p1 .LBB2_7-.Ltmp3, $3  }
0x12f: {  	_ =	sdelay $0x1  }
0x130: {  	v18 =	vpop (erf)  }
0x131: {  	[tilespmem:v17+s0+$0x0 ss:$0x1] =	vst.idx.msk $0xffff, v18  }
0x132: {  	s0 =	simm.s32 @p0 $0x40;
	s5 =	simm.s32 @p0 $0x140;
	s10 =	simm.s32 @p0 $0x1400  }
0x133: {  	[tilespmem:s10], [sflag:$0x3] =	stream.indirect.gather @p0 [hbm4b:s3+s0], $0x40, s5, s0, $0xb8;
	[tilespmem:$0x8600] =	vst v63  }
0x134: {  	s5 =	simm.s32 @p0 $0x340;
	s10 =	simm.s32 @p0 $0x5400  }
0x135: {  	[tilespmem:s10], [sflag:$0x4] =	stream.indirect.gather @p0 [hbm4b:s4+s0], $0x40, s5, s0, $0xb8;
	[tilespmem:$0x8600] =	vst v63  }
0x136: {  	_ =	swait.ge [sflag:s28], $0x1000  }
0x137: {  	[sflag:s28] =	ssyncset.done $0x0  }
0x138: {  	[sflag:s28] =	ssyncadd.s32 $0xFFFFF000  }
0x139: {  	_ =	swait.ge [sflag:s29], $0x1000  }
0x13a: {  	s19 =	sadd.s32 $0x8480, s15;
	[sflag:s29] =	ssyncset.done $0x0  }
0x13b: {  	s17 =	simm.s32 $0x0;
	v17 =	vmov s19;
	s19 =	simm.s32 $0x0;
	[sflag:s29] =	ssyncadd.s32 $0xFFFFF000  }
.LBB2_11:
0x13c: {  	s0 =	sshll.u32 s19, $0x4  }
0x13d: {  	v18 =	vmov s0  }
0x13e: {  	v18 =	vshll.u32 v18, $0x6  }
0x13f: {  	v21 =	vor.u32 v1, v18;
	v18 =	vadd.s32 s17, v0  }
0x140: {  	v25 =	vor.u32 v2, v21;
	v18 =	vand.u32 $0x38, v18  }
0x141: {  	v18 =	vor.u32 v18, v25  }
0x142: {  	v19 =	vadd.s32 s17, v10  }
0x143: {  	v19 =	vand.u32 $0x38, v19;
	v24 =	vor.u32 v3, v21  }
0x144: {  	v19 =	vor.u32 v19, v24  }
0x145: {  	v22 =	vadd.s32 s17, v11  }
0x146: {  	v22 =	vand.u32 $0x38, v22;
	v23 =	vor.u32 v4, v21;
	v20 =	vld.idx.msk [tilespmem:v18+s18+$0x0], $0xffff  }
0x147: {  	v26 =	vor.u32 v22, v23;
	v18 =	vld.idx.msk [tilespmem:v18+s20+$0x0], $0xffff;
	_ =	sdelay $0x1  }
0x148: {  	v27 =	vld.idx.msk [tilespmem:v19+s18+$0x0], $0xffff  }
0x149: {  	v28 =	vld.idx.msk [tilespmem:v19+s20+$0x0], $0xffff;
	v19 =	vadd.s32 s17, v12  }
0x14a: {  	v33 =	vadd.s32 s17, v13;
	v22 =	vor.u32 v5, v21;
	v29 =	vand.u32 $0x38, v19  }
0x14b: {  	v32 =	vld.idx.msk [tilespmem:v26+s18+$0x0], $0xffff;
	v29 =	vor.u32 v29, v22;
	v30 =	vunpack.i.l.bf16.f32 v20;
	v31 =	vunpack.i.l.bf16.f32 v18  }
0x14c: {  	v57 =	vadd.s32 s17, v15;
	v26 =	vld.idx.msk [tilespmem:v26+s20+$0x0], $0xffff;
	v19 =	vor.u32 v6, v21;
	v30 =	vmul.f32 v31, v30  }
0x14d: {  	v20 =	vunpack.i.u.bf16.f32 v20;
	v18 =	vunpack.i.u.bf16.f32 v18;
	v31 =	vimm.f32 $0.0e+00  }
0x14e: {  	v55 =	vunpack.i.l.bf16.f32 v28;
	v18 =	vmul.f32 v18, v20;
	v30 =	vadd.f32 v30, v31  }
0x14f: {  	v28 =	vunpack.i.u.bf16.f32 v28;
	v20 =	vand.u32 $0x38, v33;
	v31 =	vunpack.i.l.bf16.f32 v27  }
0x150: {  	v34 =	vor.u32 v20, v19;
	v56 =	vld.idx.msk [tilespmem:v29+s18+$0x0], $0xffff;
	v31 =	vmul.f32 v55, v31;
	v30 =	vadd.f32 v30, v18  }
0x151: {  	v35 =	vunpack.i.l.bf16.f32 v26;
	v26 =	vunpack.i.u.bf16.f32 v26;
	v27 =	vunpack.i.u.bf16.f32 v27  }
0x152: {  	v29 =	vld.idx.msk [tilespmem:v29+s20+$0x0], $0xffff;
	v27 =	vmul.f32 v28, v27;
	v28 =	vadd.s32 s17, v14;
	v30 =	vadd.f32 v31, v30  }
0x153: {  	v20 =	vor.u32 v7, v21;
	v28 =	vand.u32 $0x38, v28;
	v31 =	vunpack.i.l.bf16.f32 v32  }
0x154: {  	v28 =	vor.u32 v28, v20;
	v27 =	vadd.f32 v30, v27;
	v30 =	vmul.f32 v35, v31  }
0x155: {  	v18 =	vor.u32 v8, v21;
	v32 =	vunpack.i.u.bf16.f32 v32;
	v58 =	vunpack.i.l.bf16.f32 v56;
	v31 =	vld.idx.msk [tilespmem:v34+s18+$0x0], $0xffff  }
0x156: {  	v26 =	vmul.f32 v26, v32;
	v34 =	vld.idx.msk [tilespmem:v34+s20+$0x0], $0xffff;
	v27 =	vadd.f32 v30, v27;
	v30 =	vand.u32 $0x38, v57  }
0x157: {  	v59 =	vunpack.i.l.bf16.f32 v29;
	v29 =	vunpack.i.u.bf16.f32 v29;
	v36 =	vor.u32 v30, v18  }
0x158: {  	v30 =	vunpack.i.u.bf16.f32 v56;
	v26 =	vadd.f32 v27, v26;
	v27 =	vmul.f32 v59, v58  }
0x159: {  	v60 =	vadd.s32 s17, v16;
	v33 =	vmul.f32 v29, v30;
	v29 =	vld.idx.msk [tilespmem:v28+s20+$0x0], $0xffff  }
0x15a: {  	v21 =	vor.u32 v9, v21;
	v30 =	vand.u32 $0x38, v60;
	v26 =	vadd.f32 v27, v26;
	v27 =	vld.idx.msk [tilespmem:v28+s18+$0x0], $0xffff  }
0x15b: {  	v61 =	vunpack.i.l.bf16.f32 v31;
	v62 =	vunpack.i.l.bf16.f32 v34;
	v30 =	vor.u32 v30, v21  }
0x15c: {  	s10 =	simm.s32 $0x8;
	v35 =	vmul.f32 v62, v61;
	v33 =	vadd.f32 v26, v33  }
0x15d: {  	v63 =	vadd.s32 s10, v0;
	v37 =	vunpack.i.u.bf16.f32 v31;
	v34 =	vunpack.i.u.bf16.f32 v34;
	v26 =	vld.idx.msk [tilespmem:v36+s18+$0x0], $0xffff  }
0x15e: {  	s5 =	simm.s32 $0x10;
	v32 =	vand.u32 $0x38, v63;
	v28 =	vld.idx.msk [tilespmem:v36+s20+$0x0], $0xffff;
	v31 =	vadd.f32 v35, v33;
	v33 =	vmul.f32 v34, v37  }
.LBB2_12:
0x15f: {  	p1 =	sne.s32 s5, $0x38;
	v32 =	vor.u32 v32, v25;
	v34 =	vunpack.i.l.bf16.f32 v27;
	v35 =	vunpack.i.l.bf16.f32 v29  }
0x160: {  	v31 =	vadd.f32 v31, v33;
	v33 =	vmul.f32 v35, v34;
	v34 =	vld.idx.msk [tilespmem:v30+s18+$0x0], $0xffff  }
0x161: {  	v27 =	vunpack.i.u.bf16.f32 v27;
	v29 =	vunpack.i.u.bf16.f32 v29;
	v35 =	vadd.s32 s10, v10;
	v30 =	vld.idx.msk [tilespmem:v30+s20+$0x0], $0xffff  }
0x162: {  	v27 =	vmul.f32 v29, v27;
	v35 =	vand.u32 $0x38, v35;
	v31 =	vadd.f32 v33, v31  }
0x163: {  	v29 =	vor.u32 v35, v24;
	v33 =	vunpack.i.l.bf16.f32 v26;
	v35 =	vunpack.i.l.bf16.f32 v28  }
0x164: {  	v36 =	vld.idx.msk [tilespmem:v32+s18+$0x0], $0xffff;
	v27 =	vadd.f32 v31, v27;
	v31 =	vmul.f32 v35, v33  }
0x165: {  	v26 =	vunpack.i.u.bf16.f32 v26;
	v28 =	vunpack.i.u.bf16.f32 v28;
	v33 =	vadd.s32 s10, v11;
	v32 =	vld.idx.msk [tilespmem:v32+s20+$0x0], $0xffff  }
0x166: {  	v26 =	vmul.f32 v28, v26;
	v33 =	vand.u32 $0x38, v33;
	v27 =	vadd.f32 v31, v27  }
0x167: {  	v28 =	vor.u32 v33, v23;
	v31 =	vunpack.i.l.bf16.f32 v34;
	v33 =	vunpack.i.l.bf16.f32 v30  }
0x168: {  	v35 =	vld.idx.msk [tilespmem:v29+s18+$0x0], $0xffff;
	v26 =	vadd.f32 v27, v26;
	v27 =	vmul.f32 v33, v31  }
0x169: {  	v30 =	vunpack.i.u.bf16.f32 v30;
	v31 =	vadd.s32 s10, v12;
	v33 =	vunpack.i.u.bf16.f32 v34;
	v29 =	vld.idx.msk [tilespmem:v29+s20+$0x0], $0xffff  }
0x16a: {  	v31 =	vand.u32 $0x38, v31;
	v26 =	vadd.f32 v27, v26;
	v27 =	vmul.f32 v30, v33  }
0x16b: {  	v30 =	vunpack.i.l.bf16.f32 v36;
	v33 =	vunpack.i.l.bf16.f32 v32;
	v31 =	vor.u32 v31, v22  }
0x16c: {  	v30 =	vmul.f32 v33, v30;
	v33 =	vld.idx.msk [tilespmem:v28+s18+$0x0], $0xffff;
	v26 =	vadd.f32 v26, v27  }
0x16d: {  	v34 =	vadd.s32 s10, v13;
	v32 =	vunpack.i.u.bf16.f32 v32;
	v27 =	vunpack.i.u.bf16.f32 v36;
	v28 =	vld.idx.msk [tilespmem:v28+s20+$0x0], $0xffff  }
0x16e: {  	v27 =	vmul.f32 v32, v27;
	v26 =	vadd.f32 v30, v26;
	v30 =	vand.u32 $0x38, v34  }
0x16f: {  	v32 =	vunpack.i.l.bf16.f32 v35;
	v34 =	vunpack.i.l.bf16.f32 v29;
	v30 =	vor.u32 v30, v19  }
0x170: {  	v26 =	vadd.f32 v26, v27;
	v27 =	vmul.f32 v34, v32;
	v32 =	vld.idx.msk [tilespmem:v31+s18+$0x0], $0xffff  }
0x171: {  	v29 =	vunpack.i.u.bf16.f32 v29;
	v34 =	vunpack.i.u.bf16.f32 v35;
	v35 =	vadd.s32 s10, v14;
	v31 =	vld.idx.msk [tilespmem:v31+s20+$0x0], $0xffff  }
0x172: {  	v26 =	vadd.f32 v27, v26;
	v27 =	vmul.f32 v29, v34;
	v29 =	vand.u32 $0x38, v35  }
0x173: {  	v34 =	vunpack.i.l.bf16.f32 v33;
	v35 =	vunpack.i.l.bf16.f32 v28;
	v29 =	vor.u32 v29, v20  }
0x174: {  	v26 =	vadd.f32 v26, v27;
	v27 =	vmul.f32 v35, v34;
	v34 =	vld.idx.msk [tilespmem:v30+s18+$0x0], $0xffff  }
0x175: {  	v33 =	vunpack.i.u.bf16.f32 v33;
	v28 =	vunpack.i.u.bf16.f32 v28;
	v35 =	vld.idx.msk [tilespmem:v30+s20+$0x0], $0xffff;
	v30 =	vadd.s32 s10, v15  }
0x176: {  	v26 =	vadd.f32 v27, v26;
	v27 =	vmul.f32 v28, v33;
	v28 =	vand.u32 $0x38, v30  }
0x177: {  	v30 =	vunpack.i.l.bf16.f32 v32;
	v33 =	vunpack.i.l.bf16.f32 v31;
	v28 =	vor.u32 v28, v18  }
0x178: {  	v30 =	vmul.f32 v33, v30;
	v26 =	vadd.f32 v26, v27;
	v27 =	vld.idx.msk [tilespmem:v29+s18+$0x0], $0xffff  }
0x179: {  	v32 =	vunpack.i.u.bf16.f32 v32;
	v31 =	vunpack.i.u.bf16.f32 v31;
	v33 =	vadd.s32 s10, v16;
	s10 =	smov.u32 s5;
	v29 =	vld.idx.msk [tilespmem:v29+s20+$0x0], $0xffff  }
.Ltmp4:
0x17a: {  	v31 =	vmul.f32 v31, v32;
	v26 =	vadd.f32 v30, v26;
	v30 =	vand.u32 $0x38, v33;
	(pc) =	sbr.rel @p1 .LBB2_12-.Ltmp4, $4  }
0x17b: {  	v32 =	vunpack.i.l.bf16.f32 v34;
	v33 =	vunpack.i.l.bf16.f32 v35;
	v30 =	vor.u32 v30, v21  }
0x17c: {  	v33 =	vmul.f32 v33, v32;
	v31 =	vadd.f32 v26, v31;
	v26 =	vld.idx.msk [tilespmem:v28+s18+$0x0], $0xffff  }
0x17d: {  	v34 =	vunpack.i.u.bf16.f32 v34;
	v35 =	vunpack.i.u.bf16.f32 v35;
	v32 =	vadd.s32 s5, v0;
	v28 =	vld.idx.msk [tilespmem:v28+s20+$0x0], $0xffff  }
0x17e: {  	s5 =	sadd.s32 $0x8, s5;
	v32 =	vand.u32 $0x38, v32;
	v31 =	vadd.f32 v33, v31;
	v33 =	vmul.f32 v35, v34  }
0x17f: {  	_ =	sdelay $0x1  }
0x180: {  	v34 =	vunpack.i.l.bf16.f32 v27;
	v35 =	vunpack.i.l.bf16.f32 v29  }
0x181: {  	v25 =	vor.u32 v32, v25;
	v31 =	vadd.f32 v31, v33;
	v59 =	vmul.f32 v35, v34  }
0x182: {  	v60 =	vld.idx.msk [tilespmem:v30+s18+$0x0], $0xffff;
	v61 =	vunpack.i.u.bf16.f32 v27;
	v62 =	vunpack.i.u.bf16.f32 v29  }
0x183: {  	v63 =	vadd.s32 s10, v10;
	v36 =	vld.idx.msk [tilespmem:v30+s20+$0x0], $0xffff;
	v27 =	vmul.f32 v62, v61;
	v31 =	vadd.f32 v59, v31  }
0x184: {  	v37 =	vand.u32 $0x38, v63;
	v38 =	vunpack.i.l.bf16.f32 v26;
	v39 =	vunpack.i.l.bf16.f32 v28  }
0x185: {  	v24 =	vor.u32 v37, v24;
	v40 =	vmul.f32 v39, v38;
	v27 =	vadd.f32 v31, v27  }
0x186: {  	v42 =	vunpack.i.u.bf16.f32 v26;
	v43 =	vunpack.i.u.bf16.f32 v28;
	v41 =	vld.idx.msk [tilespmem:v25+s18+$0x0], $0xffff  }
0x187: {  	v44 =	vadd.s32 s10, v11;
	v26 =	vmul.f32 v43, v42;
	v25 =	vld.idx.msk [tilespmem:v25+s20+$0x0], $0xffff;
	v27 =	vadd.f32 v40, v27  }
0x188: {  	v45 =	vand.u32 $0x38, v44;
	v46 =	vunpack.i.l.bf16.f32 v60;
	v47 =	vunpack.i.l.bf16.f32 v36  }
0x189: {  	v23 =	vor.u32 v45, v23;
	v48 =	vmul.f32 v47, v46;
	v26 =	vadd.f32 v27, v26  }
0x18a: {  	v50 =	vunpack.i.u.bf16.f32 v60;
	v30 =	vunpack.i.u.bf16.f32 v36;
	v49 =	vld.idx.msk [tilespmem:v24+s18+$0x0], $0xffff  }
0x18b: {  	v51 =	vadd.s32 s10, v12;
	v52 =	vmul.f32 v30, v50;
	v24 =	vld.idx.msk [tilespmem:v24+s20+$0x0], $0xffff;
	v26 =	vadd.f32 v48, v26  }
0x18c: {  	v53 =	vand.u32 $0x38, v51;
	v54 =	vunpack.i.l.bf16.f32 v41;
	v55 =	vunpack.i.l.bf16.f32 v25  }
0x18d: {  	v22 =	vor.u32 v53, v22;
	v56 =	vmul.f32 v55, v54;
	v26 =	vadd.f32 v26, v52  }
0x18e: {  	v57 =	vld.idx.msk [tilespmem:v23+s18+$0x0], $0xffff;
	v58 =	vunpack.i.u.bf16.f32 v41;
	v25 =	vunpack.i.u.bf16.f32 v25  }
0x18f: {  	v59 =	vadd.s32 s10, v13;
	v23 =	vld.idx.msk [tilespmem:v23+s20+$0x0], $0xffff;
	v25 =	vmul.f32 v25, v58;
	v26 =	vadd.f32 v56, v26  }
0x190: {  	v60 =	vand.u32 $0x38, v59;
	v61 =	vunpack.i.l.bf16.f32 v49;
	v62 =	vunpack.i.l.bf16.f32 v24  }
0x191: {  	v19 =	vor.u32 v60, v19;
	v63 =	vmul.f32 v62, v61;
	v25 =	vadd.f32 v26, v25  }
0x192: {  	v33 =	vld.idx.msk [tilespmem:v22+s18+$0x0], $0xffff;
	v28 =	vunpack.i.u.bf16.f32 v49;
	v24 =	vunpack.i.u.bf16.f32 v24  }
0x193: {  	v34 =	vadd.s32 s10, v14;
	v22 =	vld.idx.msk [tilespmem:v22+s20+$0x0], $0xffff;
	v24 =	vmul.f32 v24, v28;
	v25 =	vadd.f32 v63, v25  }
0x194: {  	v35 =	vand.u32 $0x38, v34;
	v36 =	vunpack.i.l.bf16.f32 v57;
	v37 =	vunpack.i.l.bf16.f32 v23  }
0x195: {  	v20 =	vor.u32 v35, v20;
	v38 =	vmul.f32 v37, v36;
	v24 =	vadd.f32 v25, v24  }
0x196: {  	v39 =	vld.idx.msk [tilespmem:v19+s18+$0x0], $0xffff;
	v27 =	vunpack.i.u.bf16.f32 v57;
	v23 =	vunpack.i.u.bf16.f32 v23  }
0x197: {  	v40 =	vadd.s32 s10, v15;
	v19 =	vld.idx.msk [tilespmem:v19+s20+$0x0], $0xffff;
	v23 =	vmul.f32 v23, v27;
	v24 =	vadd.f32 v38, v24  }
0x198: {  	v41 =	vand.u32 $0x38, v40;
	v42 =	vunpack.i.l.bf16.f32 v33;
	v43 =	vunpack.i.l.bf16.f32 v22  }
0x199: {  	v18 =	vor.u32 v41, v18;
	v44 =	vmul.f32 v43, v42;
	v23 =	vadd.f32 v24, v23  }
0x19a: {  	v45 =	vld.idx.msk [tilespmem:v20+s18+$0x0], $0xffff;
	v46 =	vunpack.i.u.bf16.f32 v33;
	v22 =	vunpack.i.u.bf16.f32 v22  }
0x19b: {  	v47 =	vadd.s32 s10, v16;
	v20 =	vld.idx.msk [tilespmem:v20+s20+$0x0], $0xffff;
	v22 =	vmul.f32 v22, v46;
	v23 =	vadd.f32 v44, v23  }
0x19c: {  	v48 =	vand.u32 $0x38, v47;
	v49 =	vunpack.i.l.bf16.f32 v39;
	v50 =	vunpack.i.l.bf16.f32 v19  }
0x19d: {  	v21 =	vor.u32 v48, v21;
	v51 =	vmul.f32 v50, v49;
	v22 =	vadd.f32 v23, v22  }
0x19e: {  	v52 =	vld.idx.msk [tilespmem:v18+s18+$0x0], $0xffff;
	v19 =	vunpack.i.u.bf16.f32 v19;
	v26 =	vunpack.i.u.bf16.f32 v39  }
0x19f: {  	v18 =	vld.idx.msk [tilespmem:v18+s20+$0x0], $0xffff;
	v19 =	vmul.f32 v19, v26;
	v22 =	vadd.f32 v51, v22  }
0x1a0: {  	v53 =	vunpack.i.l.bf16.f32 v45;
	v54 =	vunpack.i.l.bf16.f32 v20  }
0x1a1: {  	v55 =	vmul.f32 v54, v53;
	v19 =	vadd.f32 v22, v19  }
0x1a2: {  	v20 =	vunpack.i.u.bf16.f32 v20;
	v56 =	vld.idx.msk [tilespmem:v21+s18+$0x0], $0xffff;
	v25 =	vunpack.i.u.bf16.f32 v45  }
0x1a3: {  	v21 =	vld.idx.msk [tilespmem:v21+s20+$0x0], $0xffff;
	v20 =	vmul.f32 v20, v25;
	v19 =	vadd.f32 v55, v19  }
0x1a4: {  	v57 =	vunpack.i.l.bf16.f32 v52;
	v58 =	vunpack.i.l.bf16.f32 v18  }
0x1a5: {  	v59 =	vmul.f32 v58, v57;
	v19 =	vadd.f32 v19, v20  }
0x1a6: {  	v60 =	vunpack.i.u.bf16.f32 v52;
	v18 =	vunpack.i.u.bf16.f32 v18  }
0x1a7: {  	v18 =	vmul.f32 v18, v60;
	v19 =	vadd.f32 v59, v19  }
0x1a8: {  	v61 =	vunpack.i.l.bf16.f32 v56;
	v62 =	vunpack.i.l.bf16.f32 v21  }
0x1a9: {  	v18 =	vadd.f32 v19, v18;
	v19 =	vmul.f32 v62, v61  }
0x1aa: {  	v63 =	vunpack.i.u.bf16.f32 v56;
	v21 =	vunpack.i.u.bf16.f32 v21  }
0x1ab: {  	v18 =	vadd.f32 v19, v18;
	v19 =	vmul.f32 v21, v63;
	_ =	sdelay $0x1  }
0x1ac: {  	v18 =	vadd.f32 v18, v19;
	_ =	sdelay $0x1  }
0x1ad: {  	v18 =	vsub.f32 $0.0e+00, v18;
	_ =	sdelay $0x1  }
0x1ae: {  	v18 =	vmul.f32 $1.442695020e+00, v18;
	_ =	sdelay $0x1  }
0x1af: {  	(erf) = vpow2.f32 v18;
	_ =	sdelay $0x8  }
0x1b0: {  	v18 =	vpop (erf)  }
0x1b1: {  	v18 =	vadd.f32 $1.000000000e+00, v18;
	_ =	sdelay $0x1  }
0x1b2: {  	(erf) = vrcp.f32 v18;
	_ =	sdelay $0x3  }
0x1b3: {  	s19 =	sadd.s32 $0x1, s19  }
0x1b4: {  	p1 =	sne.s32 s19, $0x4  }
.Ltmp5:
0x1b5: {  	_ = 	snop;
	(pc) =	sbr.rel @p1 .LBB2_11-.Ltmp5, $3  }
0x1b6: {  	_ =	sdelay $0x1  }
0x1b7: {  	v18 =	vpop (erf)  }
0x1b8: {  	[tilespmem:v17+s0+$0x0 ss:$0x1] =	vst.idx.msk $0xffff, v18  }
0x1b9: {  	s0 =	simm.s32 @p0 $0x40;
	s5 =	simm.s32 @p0 $0x180;
	s10 =	simm.s32 @p0 $0x2400  }
0x1ba: {  	[tilespmem:s10], [sflag:$0x5] =	stream.indirect.gather @p0 [hbm4b:s3+s0], $0x40, s5, s0, $0xb8;
	[tilespmem:$0x8600] =	vst v63  }
0x1bb: {  	s5 =	simm.s32 @p0 $0x380;
	s10 =	simm.s32 @p0 $0x6400  }
0x1bc: {  	[tilespmem:s10], [sflag:$0x6] =	stream.indirect.gather @p0 [hbm4b:s4+s0], $0x40, s5, s0, $0xb8;
	[tilespmem:$0x8600] =	vst v63  }
0x1bd: {  	_ =	swait.ge [sflag:s30], $0x1000  }
0x1be: {  	[sflag:s30] =	ssyncset.done $0x0  }
0x1bf: {  	[sflag:s30] =	ssyncadd.s32 $0xFFFFF000  }
0x1c0: {  	_ =	swait.ge [sflag:s31], $0x1000  }
0x1c1: {  	s19 =	sadd.s32 $0x84C0, s15;
	[sflag:s31] =	ssyncset.done $0x0  }
0x1c2: {  	s15 =	simm.s32 $0x0;
	s17 =	simm.s32 $0x0;
	v17 =	vmov s19;
	[sflag:s31] =	ssyncadd.s32 $0xFFFFF000  }
.LBB2_15:
0x1c3: {  	s0 =	sshll.u32 s17, $0x4  }
0x1c4: {  	v18 =	vmov s0  }
0x1c5: {  	v18 =	vshll.u32 v18, $0x6  }
0x1c6: {  	v21 =	vor.u32 v1, v18;
	v18 =	vadd.s32 s15, v0  }
0x1c7: {  	v25 =	vor.u32 v2, v21;
	v18 =	vand.u32 $0x38, v18  }
0x1c8: {  	v18 =	vor.u32 v18, v25  }
0x1c9: {  	v19 =	vadd.s32 s15, v10  }
0x1ca: {  	v19 =	vand.u32 $0x38, v19;
	v24 =	vor.u32 v3, v21  }
0x1cb: {  	v19 =	vor.u32 v19, v24  }
0x1cc: {  	v22 =	vadd.s32 s15, v11  }
0x1cd: {  	v22 =	vand.u32 $0x38, v22;
	v23 =	vor.u32 v4, v21;
	v20 =	vld.idx.msk [tilespmem:v18+s21+$0x0], $0xffff  }
0x1ce: {  	v26 =	vor.u32 v22, v23;
	v18 =	vld.idx.msk [tilespmem:v18+s22+$0x0], $0xffff;
	_ =	sdelay $0x1  }
0x1cf: {  	v27 =	vld.idx.msk [tilespmem:v19+s21+$0x0], $0xffff  }
0x1d0: {  	v28 =	vld.idx.msk [tilespmem:v19+s22+$0x0], $0xffff;
	v19 =	vadd.s32 s15, v12  }
0x1d1: {  	v33 =	vadd.s32 s15, v13;
	v22 =	vor.u32 v5, v21;
	v29 =	vand.u32 $0x38, v19  }
0x1d2: {  	v32 =	vld.idx.msk [tilespmem:v26+s21+$0x0], $0xffff;
	v29 =	vor.u32 v29, v22;
	v30 =	vunpack.i.l.bf16.f32 v20;
	v31 =	vunpack.i.l.bf16.f32 v18  }
0x1d3: {  	v57 =	vadd.s32 s15, v15;
	v26 =	vld.idx.msk [tilespmem:v26+s22+$0x0], $0xffff;
	v19 =	vor.u32 v6, v21;
	v30 =	vmul.f32 v31, v30  }
0x1d4: {  	v20 =	vunpack.i.u.bf16.f32 v20;
	v18 =	vunpack.i.u.bf16.f32 v18;
	v31 =	vimm.f32 $0.0e+00  }
0x1d5: {  	v55 =	vunpack.i.l.bf16.f32 v28;
	v18 =	vmul.f32 v18, v20;
	v30 =	vadd.f32 v30, v31  }
0x1d6: {  	v28 =	vunpack.i.u.bf16.f32 v28;
	v20 =	vand.u32 $0x38, v33;
	v31 =	vunpack.i.l.bf16.f32 v27  }
0x1d7: {  	v34 =	vor.u32 v20, v19;
	v56 =	vld.idx.msk [tilespmem:v29+s21+$0x0], $0xffff;
	v31 =	vmul.f32 v55, v31;
	v30 =	vadd.f32 v30, v18  }
0x1d8: {  	v35 =	vunpack.i.l.bf16.f32 v26;
	v26 =	vunpack.i.u.bf16.f32 v26;
	v27 =	vunpack.i.u.bf16.f32 v27  }
0x1d9: {  	v29 =	vld.idx.msk [tilespmem:v29+s22+$0x0], $0xffff;
	v27 =	vmul.f32 v28, v27;
	v28 =	vadd.s32 s15, v14;
	v30 =	vadd.f32 v31, v30  }
0x1da: {  	v20 =	vor.u32 v7, v21;
	v28 =	vand.u32 $0x38, v28;
	v31 =	vunpack.i.l.bf16.f32 v32  }
0x1db: {  	v28 =	vor.u32 v28, v20;
	v27 =	vadd.f32 v30, v27;
	v30 =	vmul.f32 v35, v31  }
0x1dc: {  	v18 =	vor.u32 v8, v21;
	v32 =	vunpack.i.u.bf16.f32 v32;
	v58 =	vunpack.i.l.bf16.f32 v56;
	v31 =	vld.idx.msk [tilespmem:v34+s21+$0x0], $0xffff  }
0x1dd: {  	v26 =	vmul.f32 v26, v32;
	v34 =	vld.idx.msk [tilespmem:v34+s22+$0x0], $0xffff;
	v27 =	vadd.f32 v30, v27;
	v30 =	vand.u32 $0x38, v57  }
0x1de: {  	v59 =	vunpack.i.l.bf16.f32 v29;
	v29 =	vunpack.i.u.bf16.f32 v29;
	v36 =	vor.u32 v30, v18  }
0x1df: {  	v30 =	vunpack.i.u.bf16.f32 v56;
	v26 =	vadd.f32 v27, v26;
	v27 =	vmul.f32 v59, v58  }
0x1e0: {  	v60 =	vadd.s32 s15, v16;
	v33 =	vmul.f32 v29, v30;
	v29 =	vld.idx.msk [tilespmem:v28+s22+$0x0], $0xffff  }
0x1e1: {  	v21 =	vor.u32 v9, v21;
	v30 =	vand.u32 $0x38, v60;
	v26 =	vadd.f32 v27, v26;
	v27 =	vld.idx.msk [tilespmem:v28+s21+$0x0], $0xffff  }
0x1e2: {  	v61 =	vunpack.i.l.bf16.f32 v31;
	v62 =	vunpack.i.l.bf16.f32 v34;
	v30 =	vor.u32 v30, v21  }
0x1e3: {  	s10 =	simm.s32 $0x8;
	v35 =	vmul.f32 v62, v61;
	v33 =	vadd.f32 v26, v33  }
0x1e4: {  	v63 =	vadd.s32 s10, v0;
	v37 =	vunpack.i.u.bf16.f32 v31;
	v34 =	vunpack.i.u.bf16.f32 v34;
	v26 =	vld.idx.msk [tilespmem:v36+s21+$0x0], $0xffff  }
0x1e5: {  	s5 =	simm.s32 $0x10;
	v32 =	vand.u32 $0x38, v63;
	v28 =	vld.idx.msk [tilespmem:v36+s22+$0x0], $0xffff;
	v31 =	vadd.f32 v35, v33;
	v33 =	vmul.f32 v34, v37  }
.LBB2_16:
0x1e6: {  	p1 =	sne.s32 s5, $0x38;
	v32 =	vor.u32 v32, v25;
	v34 =	vunpack.i.l.bf16.f32 v27;
	v35 =	vunpack.i.l.bf16.f32 v29  }
0x1e7: {  	v31 =	vadd.f32 v31, v33;
	v33 =	vmul.f32 v35, v34;
	v34 =	vld.idx.msk [tilespmem:v30+s21+$0x0], $0xffff  }
0x1e8: {  	v27 =	vunpack.i.u.bf16.f32 v27;
	v29 =	vunpack.i.u.bf16.f32 v29;
	v35 =	vadd.s32 s10, v10;
	v30 =	vld.idx.msk [tilespmem:v30+s22+$0x0], $0xffff  }
0x1e9: {  	v27 =	vmul.f32 v29, v27;
	v35 =	vand.u32 $0x38, v35;
	v31 =	vadd.f32 v33, v31  }
0x1ea: {  	v29 =	vor.u32 v35, v24;
	v33 =	vunpack.i.l.bf16.f32 v26;
	v35 =	vunpack.i.l.bf16.f32 v28  }
0x1eb: {  	v36 =	vld.idx.msk [tilespmem:v32+s21+$0x0], $0xffff;
	v27 =	vadd.f32 v31, v27;
	v31 =	vmul.f32 v35, v33  }
0x1ec: {  	v26 =	vunpack.i.u.bf16.f32 v26;
	v28 =	vunpack.i.u.bf16.f32 v28;
	v33 =	vadd.s32 s10, v11;
	v32 =	vld.idx.msk [tilespmem:v32+s22+$0x0], $0xffff  }
0x1ed: {  	v26 =	vmul.f32 v28, v26;
	v33 =	vand.u32 $0x38, v33;
	v27 =	vadd.f32 v31, v27  }
0x1ee: {  	v28 =	vor.u32 v33, v23;
	v31 =	vunpack.i.l.bf16.f32 v34;
	v33 =	vunpack.i.l.bf16.f32 v30  }
0x1ef: {  	v35 =	vld.idx.msk [tilespmem:v29+s21+$0x0], $0xffff;
	v26 =	vadd.f32 v27, v26;
	v27 =	vmul.f32 v33, v31  }
0x1f0: {  	v30 =	vunpack.i.u.bf16.f32 v30;
	v31 =	vadd.s32 s10, v12;
	v33 =	vunpack.i.u.bf16.f32 v34;
	v29 =	vld.idx.msk [tilespmem:v29+s22+$0x0], $0xffff  }
0x1f1: {  	v31 =	vand.u32 $0x38, v31;
	v26 =	vadd.f32 v27, v26;
	v27 =	vmul.f32 v30, v33  }
0x1f2: {  	v30 =	vunpack.i.l.bf16.f32 v36;
	v33 =	vunpack.i.l.bf16.f32 v32;
	v31 =	vor.u32 v31, v22  }
0x1f3: {  	v30 =	vmul.f32 v33, v30;
	v33 =	vld.idx.msk [tilespmem:v28+s21+$0x0], $0xffff;
	v26 =	vadd.f32 v26, v27  }
0x1f4: {  	v34 =	vadd.s32 s10, v13;
	v32 =	vunpack.i.u.bf16.f32 v32;
	v27 =	vunpack.i.u.bf16.f32 v36;
	v28 =	vld.idx.msk [tilespmem:v28+s22+$0x0], $0xffff  }
0x1f5: {  	v27 =	vmul.f32 v32, v27;
	v26 =	vadd.f32 v30, v26;
	v30 =	vand.u32 $0x38, v34  }
0x1f6: {  	v32 =	vunpack.i.l.bf16.f32 v35;
	v34 =	vunpack.i.l.bf16.f32 v29;
	v30 =	vor.u32 v30, v19  }
0x1f7: {  	v26 =	vadd.f32 v26, v27;
	v27 =	vmul.f32 v34, v32;
	v32 =	vld.idx.msk [tilespmem:v31+s21+$0x0], $0xffff  }
0x1f8: {  	v29 =	vunpack.i.u.bf16.f32 v29;
	v34 =	vunpack.i.u.bf16.f32 v35;
	v35 =	vadd.s32 s10, v14;
	v31 =	vld.idx.msk [tilespmem:v31+s22+$0x0], $0xffff  }
0x1f9: {  	v26 =	vadd.f32 v27, v26;
	v27 =	vmul.f32 v29, v34;
	v29 =	vand.u32 $0x38, v35  }
0x1fa: {  	v34 =	vunpack.i.l.bf16.f32 v33;
	v35 =	vunpack.i.l.bf16.f32 v28;
	v29 =	vor.u32 v29, v20  }
0x1fb: {  	v26 =	vadd.f32 v26, v27;
	v27 =	vmul.f32 v35, v34;
	v34 =	vld.idx.msk [tilespmem:v30+s21+$0x0], $0xffff  }
0x1fc: {  	v33 =	vunpack.i.u.bf16.f32 v33;
	v28 =	vunpack.i.u.bf16.f32 v28;
	v35 =	vld.idx.msk [tilespmem:v30+s22+$0x0], $0xffff;
	v30 =	vadd.s32 s10, v15  }
0x1fd: {  	v26 =	vadd.f32 v27, v26;
	v27 =	vmul.f32 v28, v33;
	v28 =	vand.u32 $0x38, v30  }
0x1fe: {  	v30 =	vunpack.i.l.bf16.f32 v32;
	v33 =	vunpack.i.l.bf16.f32 v31;
	v28 =	vor.u32 v28, v18  }
0x1ff: {  	v30 =	vmul.f32 v33, v30;
	v26 =	vadd.f32 v26, v27;
	v27 =	vld.idx.msk [tilespmem:v29+s21+$0x0], $0xffff  }
0x200: {  	v32 =	vunpack.i.u.bf16.f32 v32;
	v31 =	vunpack.i.u.bf16.f32 v31;
	v33 =	vadd.s32 s10, v16;
	s10 =	smov.u32 s5;
	v29 =	vld.idx.msk [tilespmem:v29+s22+$0x0], $0xffff  }
.Ltmp6:
0x201: {  	v31 =	vmul.f32 v31, v32;
	v26 =	vadd.f32 v30, v26;
	v30 =	vand.u32 $0x38, v33;
	(pc) =	sbr.rel @p1 .LBB2_16-.Ltmp6, $4  }
0x202: {  	v32 =	vunpack.i.l.bf16.f32 v34;
	v33 =	vunpack.i.l.bf16.f32 v35;
	v30 =	vor.u32 v30, v21  }
0x203: {  	v33 =	vmul.f32 v33, v32;
	v31 =	vadd.f32 v26, v31;
	v26 =	vld.idx.msk [tilespmem:v28+s21+$0x0], $0xffff  }
0x204: {  	v34 =	vunpack.i.u.bf16.f32 v34;
	v35 =	vunpack.i.u.bf16.f32 v35;
	v32 =	vadd.s32 s5, v0;
	v28 =	vld.idx.msk [tilespmem:v28+s22+$0x0], $0xffff  }
0x205: {  	s5 =	sadd.s32 $0x8, s5;
	v32 =	vand.u32 $0x38, v32;
	v31 =	vadd.f32 v33, v31;
	v33 =	vmul.f32 v35, v34  }
0x206: {  	_ =	sdelay $0x1  }
0x207: {  	v34 =	vunpack.i.l.bf16.f32 v27;
	v35 =	vunpack.i.l.bf16.f32 v29  }
0x208: {  	v25 =	vor.u32 v32, v25;
	v31 =	vadd.f32 v31, v33;
	v59 =	vmul.f32 v35, v34  }
0x209: {  	v60 =	vld.idx.msk [tilespmem:v30+s21+$0x0], $0xffff;
	v61 =	vunpack.i.u.bf16.f32 v27;
	v62 =	vunpack.i.u.bf16.f32 v29  }
0x20a: {  	v63 =	vadd.s32 s10, v10;
	v36 =	vld.idx.msk [tilespmem:v30+s22+$0x0], $0xffff;
	v27 =	vmul.f32 v62, v61;
	v31 =	vadd.f32 v59, v31  }
0x20b: {  	v37 =	vand.u32 $0x38, v63;
	v38 =	vunpack.i.l.bf16.f32 v26;
	v39 =	vunpack.i.l.bf16.f32 v28  }
0x20c: {  	v24 =	vor.u32 v37, v24;
	v40 =	vmul.f32 v39, v38;
	v27 =	vadd.f32 v31, v27  }
0x20d: {  	v42 =	vunpack.i.u.bf16.f32 v26;
	v43 =	vunpack.i.u.bf16.f32 v28;
	v41 =	vld.idx.msk [tilespmem:v25+s21+$0x0], $0xffff  }
0x20e: {  	v44 =	vadd.s32 s10, v11;
	v26 =	vmul.f32 v43, v42;
	v25 =	vld.idx.msk [tilespmem:v25+s22+$0x0], $0xffff;
	v27 =	vadd.f32 v40, v27  }
0x20f: {  	v45 =	vand.u32 $0x38, v44;
	v46 =	vunpack.i.l.bf16.f32 v60;
	v47 =	vunpack.i.l.bf16.f32 v36  }
0x210: {  	v23 =	vor.u32 v45, v23;
	v48 =	vmul.f32 v47, v46;
	v26 =	vadd.f32 v27, v26  }
0x211: {  	v50 =	vunpack.i.u.bf16.f32 v60;
	v30 =	vunpack.i.u.bf16.f32 v36;
	v49 =	vld.idx.msk [tilespmem:v24+s21+$0x0], $0xffff  }
0x212: {  	v51 =	vadd.s32 s10, v12;
	v52 =	vmul.f32 v30, v50;
	v24 =	vld.idx.msk [tilespmem:v24+s22+$0x0], $0xffff;
	v26 =	vadd.f32 v48, v26  }
0x213: {  	v53 =	vand.u32 $0x38, v51;
	v54 =	vunpack.i.l.bf16.f32 v41;
	v55 =	vunpack.i.l.bf16.f32 v25  }
0x214: {  	v22 =	vor.u32 v53, v22;
	v56 =	vmul.f32 v55, v54;
	v26 =	vadd.f32 v26, v52  }
0x215: {  	v57 =	vld.idx.msk [tilespmem:v23+s21+$0x0], $0xffff;
	v58 =	vunpack.i.u.bf16.f32 v41;
	v25 =	vunpack.i.u.bf16.f32 v25  }
0x216: {  	v59 =	vadd.s32 s10, v13;
	v23 =	vld.idx.msk [tilespmem:v23+s22+$0x0], $0xffff;
	v25 =	vmul.f32 v25, v58;
	v26 =	vadd.f32 v56, v26  }
0x217: {  	v60 =	vand.u32 $0x38, v59;
	v61 =	vunpack.i.l.bf16.f32 v49;
	v62 =	vunpack.i.l.bf16.f32 v24  }
0x218: {  	v19 =	vor.u32 v60, v19;
	v63 =	vmul.f32 v62, v61;
	v25 =	vadd.f32 v26, v25  }
0x219: {  	v33 =	vld.idx.msk [tilespmem:v22+s21+$0x0], $0xffff;
	v28 =	vunpack.i.u.bf16.f32 v49;
	v24 =	vunpack.i.u.bf16.f32 v24  }
0x21a: {  	v34 =	vadd.s32 s10, v14;
	v22 =	vld.idx.msk [tilespmem:v22+s22+$0x0], $0xffff;
	v24 =	vmul.f32 v24, v28;
	v25 =	vadd.f32 v63, v25  }
0x21b: {  	v35 =	vand.u32 $0x38, v34;
	v36 =	vunpack.i.l.bf16.f32 v57;
	v37 =	vunpack.i.l.bf16.f32 v23  }
0x21c: {  	v20 =	vor.u32 v35, v20;
	v38 =	vmul.f32 v37, v36;
	v24 =	vadd.f32 v25, v24  }
0x21d: {  	v39 =	vld.idx.msk [tilespmem:v19+s21+$0x0], $0xffff;
	v27 =	vunpack.i.u.bf16.f32 v57;
	v23 =	vunpack.i.u.bf16.f32 v23  }
0x21e: {  	v40 =	vadd.s32 s10, v15;
	v19 =	vld.idx.msk [tilespmem:v19+s22+$0x0], $0xffff;
	v23 =	vmul.f32 v23, v27;
	v24 =	vadd.f32 v38, v24  }
0x21f: {  	v41 =	vand.u32 $0x38, v40;
	v42 =	vunpack.i.l.bf16.f32 v33;
	v43 =	vunpack.i.l.bf16.f32 v22  }
0x220: {  	v18 =	vor.u32 v41, v18;
	v44 =	vmul.f32 v43, v42;
	v23 =	vadd.f32 v24, v23  }
0x221: {  	v45 =	vld.idx.msk [tilespmem:v20+s21+$0x0], $0xffff;
	v46 =	vunpack.i.u.bf16.f32 v33;
	v22 =	vunpack.i.u.bf16.f32 v22  }
0x222: {  	v47 =	vadd.s32 s10, v16;
	v20 =	vld.idx.msk [tilespmem:v20+s22+$0x0], $0xffff;
	v22 =	vmul.f32 v22, v46;
	v23 =	vadd.f32 v44, v23  }
0x223: {  	v48 =	vand.u32 $0x38, v47;
	v49 =	vunpack.i.l.bf16.f32 v39;
	v50 =	vunpack.i.l.bf16.f32 v19  }
0x224: {  	v21 =	vor.u32 v48, v21;
	v51 =	vmul.f32 v50, v49;
	v22 =	vadd.f32 v23, v22  }
0x225: {  	v52 =	vld.idx.msk [tilespmem:v18+s21+$0x0], $0xffff;
	v19 =	vunpack.i.u.bf16.f32 v19;
	v26 =	vunpack.i.u.bf16.f32 v39  }
0x226: {  	v18 =	vld.idx.msk [tilespmem:v18+s22+$0x0], $0xffff;
	v19 =	vmul.f32 v19, v26;
	v22 =	vadd.f32 v51, v22  }
0x227: {  	v53 =	vunpack.i.l.bf16.f32 v45;
	v54 =	vunpack.i.l.bf16.f32 v20  }
0x228: {  	v55 =	vmul.f32 v54, v53;
	v19 =	vadd.f32 v22, v19  }
0x229: {  	v20 =	vunpack.i.u.bf16.f32 v20;
	v56 =	vld.idx.msk [tilespmem:v21+s21+$0x0], $0xffff;
	v25 =	vunpack.i.u.bf16.f32 v45  }
0x22a: {  	v21 =	vld.idx.msk [tilespmem:v21+s22+$0x0], $0xffff;
	v20 =	vmul.f32 v20, v25;
	v19 =	vadd.f32 v55, v19  }
0x22b: {  	v57 =	vunpack.i.l.bf16.f32 v52;
	v58 =	vunpack.i.l.bf16.f32 v18  }
0x22c: {  	v59 =	vmul.f32 v58, v57;
	v19 =	vadd.f32 v19, v20  }
0x22d: {  	v60 =	vunpack.i.u.bf16.f32 v52;
	v18 =	vunpack.i.u.bf16.f32 v18  }
0x22e: {  	v18 =	vmul.f32 v18, v60;
	v19 =	vadd.f32 v59, v19  }
0x22f: {  	v61 =	vunpack.i.l.bf16.f32 v56;
	v62 =	vunpack.i.l.bf16.f32 v21  }
0x230: {  	v18 =	vadd.f32 v19, v18;
	v19 =	vmul.f32 v62, v61  }
0x231: {  	v63 =	vunpack.i.u.bf16.f32 v56;
	v21 =	vunpack.i.u.bf16.f32 v21  }
0x232: {  	v18 =	vadd.f32 v19, v18;
	v19 =	vmul.f32 v21, v63;
	_ =	sdelay $0x1  }
0x233: {  	v18 =	vadd.f32 v18, v19;
	_ =	sdelay $0x1  }
0x234: {  	v18 =	vsub.f32 $0.0e+00, v18;
	_ =	sdelay $0x1  }
0x235: {  	v18 =	vmul.f32 $1.442695020e+00, v18;
	_ =	sdelay $0x1  }
0x236: {  	(erf) = vpow2.f32 v18;
	_ =	sdelay $0x8  }
0x237: {  	v18 =	vpop (erf)  }
0x238: {  	v18 =	vadd.f32 $1.000000000e+00, v18;
	_ =	sdelay $0x1  }
0x239: {  	(erf) = vrcp.f32 v18;
	_ =	sdelay $0x3  }
0x23a: {  	s17 =	sadd.s32 $0x1, s17  }
0x23b: {  	p1 =	sne.s32 s17, $0x4  }
.Ltmp7:
0x23c: {  	_ = 	snop;
	(pc) =	sbr.rel @p1 .LBB2_15-.Ltmp7, $3  }
0x23d: {  	_ =	sdelay $0x1  }
0x23e: {  	v18 =	vpop (erf)  }
0x23f: {  	[tilespmem:v17+s0+$0x0 ss:$0x1] =	vst.idx.msk $0xffff, v18  }
.Ltmp8:
0x240: {  	(pc) =	sbr.rel @p0 .LBB2_2-.Ltmp8, $3  }
0x241: {  	_ =	sdelay $0x1  }
0x242: {  	s0 =	simm.s32 $0x400  }
0x243: {  	p1 =	por $0x0, $0x0;
	s5 =	simm.s32 $0x3C0;
	s10 =	simm.s32 $0x1C0  }
0x244: {  	s1 =	sadd.s32 $0x1, s1  }
0x245: {  	p0 =	sne.s32 s1, s8  }
.Ltmp9:
0x246: {  	s0 =	simm.s32 $0x8400;
	(pc) =	sbr.rel @p0 .LBB2_1-.Ltmp9, $4  }
0x247: {  	[hbm4b:s7+s2] =	stream.linear.scatter [tilespmem:s0], [sflag:$0x9], $0x200, $0x38;
	[tilespmem:$0x8600] =	vst v63  }
0x248: {  	_ =	swait.ge [sflag:s9], $0x200  }
0x249: {  	[sflag:s9] =	ssyncset.done $0x0  }
0x24a: {  	[sflag:s9] =	ssyncadd.s32 $0xFFFFFE00  }
0x24b: {  	_ =	sfence.sel $0x180000  }
0x24c: {  	[bflag:$0x0] =	sbarrier.arrive $0xFFFF  }
0x24d: {  	_ =	strace $0x90000047  }
0x24e: {  	s0 =	stileid.u32;
	[bflag:$0x2] =	sbarrier.arrive $0xFFFF  }
0x24f: {  	p0 =	sne.s32 s0, $0x0;
	s0 =	rddreg [dreg:$0x4]  }
0x250: {  	s0 =	sadd.s32 @!p0 $0x100000, s0  }
0x251: {  	[sflag:s0] =	ssyncadd.tile.s32 @!p0 $0x1;
	_ =	shalt  }
.Lfunc_end2:
_tile_overlayer_lowered:
.L_overlay_start_2:
0x252: {  	(tag) =	ssettag $0x2  }
0x253: {  	s0 =	rddreg [dreg:$0x0];
	s2 =	stileid.u32  }
0x254: {  	s1 =	rddreg [dreg:$0x1];
	p0 =	sne.s32 s2, $0x0  }
0x255: {  	s3 =	rddreg [dreg:$0x2];
	[bflag:$0x3] =	sbarrier.arrive $0xFFFF;
	s2 =	simm.s32 @!p0 $0x1C09  }
0x256: {  	[timem:s3], [sflag:s2] =	dma.local @!p0 [hbm:s0], s1  }
0x257: {  	s0 =	simm.s32 @!p0 $0x9  }
0x258: {  	_ =	swait.ge @!p0 [sflag:s0], s1  }
0x259: {  	s1 =	ssub.s32 @!p0 $0x0, s1;
	[sflag:s0] =	ssyncset.done @!p0 $0x0  }
0x25a: {  	[sflag:s0] =	ssyncadd.s32 @!p0 s1  }
0x25b: {  	[bflag:$0x3] =	sbarrier.arrive $0xFFFF  }
0x25c: {  	_ =	shalt  }

</sc_bundles>
